<compile_context>
chip_gen: v7x
topology: tpu7x:2x2x1
jax: 0.10.2.dev20260603
libtpu: 0.0.44.dev20260713+nightly
codegen_flags: <defaults>
</compile_context>

<pallas_src>
import functools

import jax
import jax.numpy as jnp
from jax import lax
from jax.experimental import pallas as pl
from jax.experimental.pallas import tpu as pltpu
from jax.experimental.pallas import tpu_sc as plsc

_NC = 2
_NS = 16
_NW = _NC * _NS
_NSLOT = 4


def _make_scatter_kernel(B, T, D):
    TPW = T // _NW
    mesh = plsc.VectorSubcoreMesh(core_axis_name="c", subcore_axis_name="s")

    @functools.partial(
        pl.kernel,
        out_type=jax.ShapeDtypeStruct((B * T, D), jnp.float32),
        mesh=mesh,
        scratch_types=[
            pltpu.VMEM((TPW,), jnp.int32),
            pltpu.VMEM((B, TPW), jnp.int32),
            pltpu.VMEM((_NSLOT, TPW, D), jnp.float32),
            pltpu.SemaphoreType.DMA,
            pltpu.SemaphoreType.DMA,
        ],
    )
    def scatter_kernel(img_hbm, idx_hbm, out_hbm,
                       rawidx_v, flatidx_v, buf_v, sem_in, sem_out):
        c = lax.axis_index("c")
        s = lax.axis_index("s")
        wid = s * _NC + c
        base = wid * TPW

        def in_copy(b, slot):
            return pltpu.make_async_copy(
                img_hbm.at[pl.ds(b * T + base, TPW)], buf_v.at[slot], sem_in)

        def out_copy(b, slot):
            return pltpu.make_async_copy(
                buf_v.at[slot], out_hbm.at[flatidx_v.at[b]], sem_out)

        for j in range(_NSLOT):
            in_copy(j, j).start()

        pltpu.sync_copy(idx_hbm.at[pl.ds(base, TPW)], rawidx_v)

        def fill(b, carry):
            for t0 in range(0, TPW, 16):
                flatidx_v[b, pl.ds(t0, 16)] = rawidx_v[pl.ds(t0, 16)] + b * T
            return carry
        lax.fori_loop(0, B, fill, 0)

        def step(g, carry):
            for j in range(_NSLOT):
                b = g * _NSLOT + j
                in_copy(b, j).wait()
                out_copy(b, j).start()
                out_copy(b, j).wait()
                in_copy(b + _NSLOT, j).start()
            return carry
        lax.fori_loop(0, B // _NSLOT - 1, step, 0)

        blast = B - _NSLOT
        for j in range(_NSLOT):
            in_copy(blast + j, j).wait()
            out_copy(blast + j, j).start()
        for j in range(_NSLOT):
            out_copy(blast + j, j).wait()

    return scatter_kernel


def kernel(img, index_flat_inv):
    B, T, D = img.shape
    img_flat = img.reshape(B * T, D)
    idx = index_flat_inv.astype(jnp.int32)
    out_flat = _make_scatter_kernel(B, T, D)(img_flat, idx)
    return out_flat.reshape(B, T, D)

# --- scband reference (transcript-rebuilt; emitter-appended) ---
"""Pipeline reference for scband-loc-ed-68719477260 (READ-ONLY COPY).

The authoritative reference and input builder live on the scoring server;
editing this copy changes nothing except your own understanding.
"""

import jax, jax.numpy as jnp
import numpy as np


def _zigzag_locs_flat_inv(bit, dim):
    size = 2 ** bit
    max_num = size ** dim
    indexes = np.arange(max_num).reshape(size, size)
    for i in np.arange(1, size, step=2):
        indexes[i, :] = indexes[i, :][::-1]
    locs_flat = indexes.reshape(-1)
    locs_flat_inv = np.argsort(locs_flat)
    return locs_flat_inv.astype(np.int64)


def setup_inputs(seed: int = 0) -> dict:
    key = jax.random.key(seed)
    img = jax.random.normal(key, (64, 1024, 768), dtype=jnp.float32)
    # buffer built in __init__ (bit=5, dim=2, loc_encoder='zigzag')
    index_flat_inv = jnp.asarray(_zigzag_locs_flat_inv(5, 2))
    return {"img": img, "index_flat_inv": index_flat_inv}


def reference(img, index_flat_inv):
    # torch: zeros(img.shape).scatter_(1, index_flat_inv.expand(img.shape), img)
    # index is identical across batch and channel dims, so this is a
    # scatter-overwrite along dim 1: out[:, index_flat_inv[i], :] = img[:, i, :]
    out = jnp.zeros_like(img).at[:, index_flat_inv, :].set(img)
    return out

if __name__ == "__main__":
    import jax
    _d = setup_inputs()
    print(jax.jit(kernel)(*tuple(_d.values())))

</pallas_src>

<mosaic_0001>
#map = affine_map<(d0, d1) -> (0, 0)>
#map1 = affine_map<(d0, d1) -> (0)>
module attributes {stable_mosaic.version = 14 : i64} {
  func.func @scatter_kernel(%arg0: i32, %arg1: i32, %arg2: memref<65536x768xf32, #tpu.memory_space<hbm>>, %arg3: memref<1024xi32, #tpu.memory_space<hbm>>, %arg4: memref<65536x768xf32, #tpu.memory_space<hbm>>, %arg5: memref<32xi32, #tpu.memory_space<vmem>>, %arg6: memref<64x32xi32, #tpu.memory_space<vmem>>, %arg7: memref<4x32x768xf32, #tpu.memory_space<vmem>>, %arg8: memref<!tpu.dma_semaphore, #tpu.memory_space<semaphore_mem>>, %arg9: memref<!tpu.dma_semaphore, #tpu.memory_space<semaphore_mem>>) attributes {dimension_semantics = [#tpu.dimension_semantics<core_parallel>, #tpu.dimension_semantics<subcore_parallel>], iteration_bounds = array<i64: 2, 16>, scalar_prefetch = 0 : i64, scratch_operands = 5 : i64, tpu.core_type = #tpu.core_type<sc_vector_subcore>, window_params = [{transform_indices = #map}, {transform_indices = #map1}, {transform_indices = #map}]} {
    %mul3A = arith.constant 2 : i32
    %mul3A_0 = arith.muli %arg1, %mul3A : i32
    %add3A = arith.addi %mul3A_0, %arg0 : i32
    %mul3A_1 = arith.constant 32 : i32
    %mul3A_2 = arith.muli %add3A, %mul3A_1 : i32
    %add3A_3 = arith.constant 0 : i32
    %add3A_4 = arith.addi %add3A_3, %mul3A_2 : i32
    %dma_start3A = arith.constant 0 : i32
    %dma_start3A_5 = arith.constant 0 : i32
    %dma_start3A_6 = arith.constant 0 : i32
    %dma_start3A_7 = tpu.memref_slice %arg7[%dma_start3A, %dma_start3A_5, %dma_start3A_6] : memref<4x32x768xf32, #tpu.memory_space<vmem>> -> memref<1x32x768xf32, #tpu.memory_space<vmem>>
    %dma_start3A_8 = tpu.memref_squeeze %dma_start3A_7 : memref<1x32x768xf32, #tpu.memory_space<vmem>> -> memref<32x768xf32, #tpu.memory_space<vmem>>
    %dma_start3A_9 = arith.constant 0 : i32
    %dma_start3A_10 = tpu.memref_slice %arg2[%add3A_4, %dma_start3A_9] : memref<65536x768xf32, #tpu.memory_space<hbm>> -> memref<32x768xf32, #tpu.memory_space<hbm>>
    %dma_start3A_11 = arith.constant 0 : i32
    %dma_start3A_12 = arith.constant 0 : i32
    %dma_start3A_13 = tpu.memref_slice %arg7[%dma_start3A, %dma_start3A_11, %dma_start3A_12] : memref<4x32x768xf32, #tpu.memory_space<vmem>> -> memref<1x32x768xf32, #tpu.memory_space<vmem>>
    %dma_start3A_14 = tpu.memref_squeeze %dma_start3A_13 : memref<1x32x768xf32, #tpu.memory_space<vmem>> -> memref<32x768xf32, #tpu.memory_space<vmem>>
    %dma_start3A_15 = arith.constant 0 : i32
    %dma_start3A_16 = tpu.memref_slice %arg2[%add3A_4, %dma_start3A_15] : memref<65536x768xf32, #tpu.memory_space<hbm>> -> memref<32x768xf32, #tpu.memory_space<hbm>>
    tpu.enqueue_dma source(%dma_start3A_16 : memref<32x768xf32, #tpu.memory_space<hbm>>) target(%dma_start3A_14 : memref<32x768xf32, #tpu.memory_space<vmem>>) target_semaphore(%arg8 : memref<!tpu.dma_semaphore, #tpu.memory_space<semaphore_mem>>)
    %add3A_17 = arith.constant 1024 : i32
    %add3A_18 = arith.addi %add3A_17, %mul3A_2 : i32
    %dma_start3A_19 = arith.constant 1 : i32
    %dma_start3A_20 = arith.constant 0 : i32
    %dma_start3A_21 = arith.constant 0 : i32
    %dma_start3A_22 = tpu.memref_slice %arg7[%dma_start3A_19, %dma_start3A_20, %dma_start3A_21] : memref<4x32x768xf32, #tpu.memory_space<vmem>> -> memref<1x32x768xf32, #tpu.memory_space<vmem>>
    %dma_start3A_23 = tpu.memref_squeeze %dma_start3A_22 : memref<1x32x768xf32, #tpu.memory_space<vmem>> -> memref<32x768xf32, #tpu.memory_space<vmem>>
    %dma_start3A_24 = arith.constant 0 : i32
    %dma_start3A_25 = tpu.memref_slice %arg2[%add3A_18, %dma_start3A_24] : memref<65536x768xf32, #tpu.memory_space<hbm>> -> memref<32x768xf32, #tpu.memory_space<hbm>>
    %dma_start3A_26 = arith.constant 0 : i32
    %dma_start3A_27 = arith.constant 0 : i32
    %dma_start3A_28 = tpu.memref_slice %arg7[%dma_start3A_19, %dma_start3A_26, %dma_start3A_27] : memref<4x32x768xf32, #tpu.memory_space<vmem>> -> memref<1x32x768xf32, #tpu.memory_space<vmem>>
    %dma_start3A_29 = tpu.memref_squeeze %dma_start3A_28 : memref<1x32x768xf32, #tpu.memory_space<vmem>> -> memref<32x768xf32, #tpu.memory_space<vmem>>
    %dma_start3A_30 = arith.constant 0 : i32
    %dma_start3A_31 = tpu.memref_slice %arg2[%add3A_18, %dma_start3A_30] : memref<65536x768xf32, #tpu.memory_space<hbm>> -> memref<32x768xf32, #tpu.memory_space<hbm>>
    tpu.enqueue_dma source(%dma_start3A_31 : memref<32x768xf32, #tpu.memory_space<hbm>>) target(%dma_start3A_29 : memref<32x768xf32, #tpu.memory_space<vmem>>) target_semaphore(%arg8 : memref<!tpu.dma_semaphore, #tpu.memory_space<semaphore_mem>>)
    %add3A_32 = arith.constant 2048 : i32
    %add3A_33 = arith.addi %add3A_32, %mul3A_2 : i32
    %dma_start3A_34 = arith.constant 2 : i32
    %dma_start3A_35 = arith.constant 0 : i32
    %dma_start3A_36 = arith.constant 0 : i32
    %dma_start3A_37 = tpu.memref_slice %arg7[%dma_start3A_34, %dma_start3A_35, %dma_start3A_36] : memref<4x32x768xf32, #tpu.memory_space<vmem>> -> memref<1x32x768xf32, #tpu.memory_space<vmem>>
    %dma_start3A_38 = tpu.memref_squeeze %dma_start3A_37 : memref<1x32x768xf32, #tpu.memory_space<vmem>> -> memref<32x768xf32, #tpu.memory_space<vmem>>
    %dma_start3A_39 = arith.constant 0 : i32
    %dma_start3A_40 = tpu.memref_slice %arg2[%add3A_33, %dma_start3A_39] : memref<65536x768xf32, #tpu.memory_space<hbm>> -> memref<32x768xf32, #tpu.memory_space<hbm>>
    %dma_start3A_41 = arith.constant 0 : i32
    %dma_start3A_42 = arith.constant 0 : i32
    %dma_start3A_43 = tpu.memref_slice %arg7[%dma_start3A_34, %dma_start3A_41, %dma_start3A_42] : memref<4x32x768xf32, #tpu.memory_space<vmem>> -> memref<1x32x768xf32, #tpu.memory_space<vmem>>
    %dma_start3A_44 = tpu.memref_squeeze %dma_start3A_43 : memref<1x32x768xf32, #tpu.memory_space<vmem>> -> memref<32x768xf32, #tpu.memory_space<vmem>>
    %dma_start3A_45 = arith.constant 0 : i32
    %dma_start3A_46 = tpu.memref_slice %arg2[%add3A_33, %dma_start3A_45] : memref<65536x768xf32, #tpu.memory_space<hbm>> -> memref<32x768xf32, #tpu.memory_space<hbm>>
    tpu.enqueue_dma source(%dma_start3A_46 : memref<32x768xf32, #tpu.memory_space<hbm>>) target(%dma_start3A_44 : memref<32x768xf32, #tpu.memory_space<vmem>>) target_semaphore(%arg8 : memref<!tpu.dma_semaphore, #tpu.memory_space<semaphore_mem>>)
    %add3A_47 = arith.constant 3072 : i32
    %add3A_48 = arith.addi %add3A_47, %mul3A_2 : i32
    %dma_start3A_49 = arith.constant 3 : i32
    %dma_start3A_50 = arith.constant 0 : i32
    %dma_start3A_51 = arith.constant 0 : i32
    %dma_start3A_52 = tpu.memref_slice %arg7[%dma_start3A_49, %dma_start3A_50, %dma_start3A_51] : memref<4x32x768xf32, #tpu.memory_space<vmem>> -> memref<1x32x768xf32, #tpu.memory_space<vmem>>
    %dma_start3A_53 = tpu.memref_squeeze %dma_start3A_52 : memref<1x32x768xf32, #tpu.memory_space<vmem>> -> memref<32x768xf32, #tpu.memory_space<vmem>>
    %dma_start3A_54 = arith.constant 0 : i32
    %dma_start3A_55 = tpu.memref_slice %arg2[%add3A_48, %dma_start3A_54] : memref<65536x768xf32, #tpu.memory_space<hbm>> -> memref<32x768xf32, #tpu.memory_space<hbm>>
    %dma_start3A_56 = arith.constant 0 : i32
    %dma_start3A_57 = arith.constant 0 : i32
    %dma_start3A_58 = tpu.memref_slice %arg7[%dma_start3A_49, %dma_start3A_56, %dma_start3A_57] : memref<4x32x768xf32, #tpu.memory_space<vmem>> -> memref<1x32x768xf32, #tpu.memory_space<vmem>>
    %dma_start3A_59 = tpu.memref_squeeze %dma_start3A_58 : memref<1x32x768xf32, #tpu.memory_space<vmem>> -> memref<32x768xf32, #tpu.memory_space<vmem>>
    %dma_start3A_60 = arith.constant 0 : i32
    %dma_start3A_61 = tpu.memref_slice %arg2[%add3A_48, %dma_start3A_60] : memref<65536x768xf32, #tpu.memory_space<hbm>> -> memref<32x768xf32, #tpu.memory_space<hbm>>
    tpu.enqueue_dma source(%dma_start3A_61 : memref<32x768xf32, #tpu.memory_space<hbm>>) target(%dma_start3A_59 : memref<32x768xf32, #tpu.memory_space<vmem>>) target_semaphore(%arg8 : memref<!tpu.dma_semaphore, #tpu.memory_space<semaphore_mem>>)
    "tpu.region"() ({
      %run_scoped3A = tpu.sem_alloc : memref<!tpu.dma_semaphore, #tpu.memory_space<semaphore_mem>>
      %dma_start3A_228 = tpu.memref_slice %arg3[%mul3A_2] : memref<1024xi32, #tpu.memory_space<hbm>> -> memref<32xi32, #tpu.memory_space<hbm>>
      %dma_start3A_229 = tpu.memref_slice %arg3[%mul3A_2] : memref<1024xi32, #tpu.memory_space<hbm>> -> memref<32xi32, #tpu.memory_space<hbm>>
      tpu.enqueue_dma source(%dma_start3A_229 : memref<32xi32, #tpu.memory_space<hbm>>) target(%arg5 : memref<32xi32, #tpu.memory_space<vmem>>) target_semaphore(%run_scoped3A : memref<!tpu.dma_semaphore, #tpu.memory_space<semaphore_mem>>)
      %dma_wait3A_230 = tpu.memref_slice %arg3[%mul3A_2] : memref<1024xi32, #tpu.memory_space<hbm>> -> memref<32xi32, #tpu.memory_space<hbm>>
      %dma_wait3A_231 = tpu.memref_slice %arg3[%mul3A_2] : memref<1024xi32, #tpu.memory_space<hbm>> -> memref<32xi32, #tpu.memory_space<hbm>>
      tpu.wait_dma2 semaphore(%run_scoped3A : memref<!tpu.dma_semaphore, #tpu.memory_space<semaphore_mem>>) src(%dma_wait3A_231 : memref<32xi32, #tpu.memory_space<hbm>>) dst(%arg5 : memref<32xi32, #tpu.memory_space<vmem>>)
      tpu.yield
    }) : () -> ()
    %scan3A = arith.constant 0 : i32
    %scan3A_62 = arith.constant 0 : i32
    %scan3A_63 = arith.constant 64 : i32
    %scan3A_64 = arith.addi %scan3A_62, %scan3A_63 : i32
    %scan3A_65 = arith.constant 1 : i32
    scf.for %scan3A_228 = %scan3A_62 to %scan3A_64 step %scan3A_65  : i32 {
      %get3A = arith.constant 0 : index
      %get3A_229 = tpu.vector_load %arg5[%get3A] {strides = array<i32>} : memref<32xi32, #tpu.memory_space<vmem>>, vector<16xi32>,
      %get3A_230 = vector.shape_cast %get3A_229 : vector<16xi32> to vector<16xi32>
      %mul3A_231 = arith.constant 1024 : i32
      %mul3A_232 = arith.muli %scan3A_228, %mul3A_231 : i32
      %add3A_233 = vector.broadcast %mul3A_232 : i32 to vector<16xi32>
      %add3A_234 = arith.addi %get3A_230, %add3A_233 : vector<16xi32>
      %swap3A = arith.index_cast %scan3A_228 : i32 to index
      %swap3A_235 = arith.constant 0 : index
      %swap3A_236 = tpu.vector_load %arg6[%swap3A, %swap3A_235] {strides = array<i32>} : memref<64x32xi32, #tpu.memory_space<vmem>>, vector<1x16xi32>,
      %swap3A_237 = vector.shape_cast %swap3A_236 : vector<1x16xi32> to vector<16xi32>
      %swap3A_238 = vector.shape_cast %add3A_234 : vector<16xi32> to vector<1x16xi32>
      tpu.vector_store %arg6[%swap3A, %swap3A_235], %swap3A_238 {strides = array<i32>} : memref<64x32xi32, #tpu.memory_space<vmem>>, vector<1x16xi32>,
      %get3A_239 = arith.constant 16 : index
      %get3A_240 = tpu.vector_load %arg5[%get3A_239] {strides = array<i32>} : memref<32xi32, #tpu.memory_space<vmem>>, vector<16xi32>,
      %get3A_241 = vector.shape_cast %get3A_240 : vector<16xi32> to vector<16xi32>
      %mul3A_242 = arith.constant 1024 : i32
      %mul3A_243 = arith.muli %scan3A_228, %mul3A_242 : i32
      %add3A_244 = vector.broadcast %mul3A_243 : i32 to vector<16xi32>
      %add3A_245 = arith.addi %get3A_241, %add3A_244 : vector<16xi32>
      %swap3A_246 = arith.index_cast %scan3A_228 : i32 to index
      %swap3A_247 = arith.constant 16 : index
      %swap3A_248 = tpu.vector_load %arg6[%swap3A_246, %swap3A_247] {strides = array<i32>} : memref<64x32xi32, #tpu.memory_space<vmem>>, vector<1x16xi32>,
      %swap3A_249 = vector.shape_cast %swap3A_248 : vector<1x16xi32> to vector<16xi32>
      %swap3A_250 = vector.shape_cast %add3A_245 : vector<16xi32> to vector<1x16xi32>
      tpu.vector_store %arg6[%swap3A_246, %swap3A_247], %swap3A_250 {strides = array<i32>} : memref<64x32xi32, #tpu.memory_space<vmem>>, vector<1x16xi32>,
    }
    %scan3A_66 = arith.constant 64 : i32
    %scan3A_67 = arith.constant 0 : i32
    %scan3A_68 = arith.constant 0 : i32
    %scan3A_69 = arith.constant 15 : i32
    %scan3A_70 = arith.addi %scan3A_68, %scan3A_69 : i32
    %scan3A_71 = arith.constant 1 : i32
    scf.for %scan3A_228 = %scan3A_68 to %scan3A_70 step %scan3A_71  : i32 {
      %mul3A_229 = arith.constant 4 : i32
      %mul3A_230 = arith.muli %scan3A_228, %mul3A_229 : i32
      %add3A_231 = arith.constant 0 : i32
      %add3A_232 = arith.addi %mul3A_230, %add3A_231 : i32
      %mul3A_233 = arith.constant 1024 : i32
      %mul3A_234 = arith.muli %add3A_232, %mul3A_233 : i32
      %add3A_235 = arith.addi %mul3A_234, %mul3A_2 : i32
      %dma_wait3A_236 = arith.constant 0 : i32
      %dma_wait3A_237 = arith.constant 0 : i32
      %dma_wait3A_238 = arith.constant 0 : i32
      %dma_wait3A_239 = tpu.memref_slice %arg7[%dma_wait3A_236, %dma_wait3A_237, %dma_wait3A_238] : memref<4x32x768xf32, #tpu.memory_space<vmem>> -> memref<1x32x768xf32, #tpu.memory_space<vmem>>
      %dma_wait3A_240 = tpu.memref_squeeze %dma_wait3A_239 : memref<1x32x768xf32, #tpu.memory_space<vmem>> -> memref<32x768xf32, #tpu.memory_space<vmem>>
      %dma_wait3A_241 = arith.constant 0 : i32
      %dma_wait3A_242 = tpu.memref_slice %arg2[%add3A_235, %dma_wait3A_241] : memref<65536x768xf32, #tpu.memory_space<hbm>> -> memref<32x768xf32, #tpu.memory_space<hbm>>
      %dma_wait3A_243 = arith.constant 0 : i32
      %dma_wait3A_244 = arith.constant 0 : i32
      %dma_wait3A_245 = tpu.memref_slice %arg7[%dma_wait3A_236, %dma_wait3A_243, %dma_wait3A_244] : memref<4x32x768xf32, #tpu.memory_space<vmem>> -> memref<1x32x768xf32, #tpu.memory_space<vmem>>
      %dma_wait3A_246 = tpu.memref_squeeze %dma_wait3A_245 : memref<1x32x768xf32, #tpu.memory_space<vmem>> -> memref<32x768xf32, #tpu.memory_space<vmem>>
      %dma_wait3A_247 = arith.constant 0 : i32
      %dma_wait3A_248 = tpu.memref_slice %arg2[%add3A_235, %dma_wait3A_247] : memref<65536x768xf32, #tpu.memory_space<hbm>> -> memref<32x768xf32, #tpu.memory_space<hbm>>
      tpu.wait_dma2 semaphore(%arg8 : memref<!tpu.dma_semaphore, #tpu.memory_space<semaphore_mem>>) src(%dma_wait3A_248 : memref<32x768xf32, #tpu.memory_space<hbm>>) dst(%dma_wait3A_246 : memref<32x768xf32, #tpu.memory_space<vmem>>)
      %dma_start3A_249 = arith.constant 0 : i32
      %dma_start3A_250 = arith.constant 0 : i32
      %dma_start3A_251 = arith.constant 0 : i32
      %dma_start3A_252 = tpu.memref_slice %arg7[%dma_start3A_249, %dma_start3A_250, %dma_start3A_251] : memref<4x32x768xf32, #tpu.memory_space<vmem>> -> memref<1x32x768xf32, #tpu.memory_space<vmem>>
      %dma_start3A_253 = tpu.memref_squeeze %dma_start3A_252 : memref<1x32x768xf32, #tpu.memory_space<vmem>> -> memref<32x768xf32, #tpu.memory_space<vmem>>
      %dma_start3A_254 = arith.constant 0 : i32
      %dma_start3A_255 = tpu.memref_slice %arg6[%add3A_232, %dma_start3A_254] : memref<64x32xi32, #tpu.memory_space<vmem>> -> memref<1x32xi32, #tpu.memory_space<vmem>>
      %dma_start3A_256 = tpu.memref_squeeze %dma_start3A_255 : memref<1x32xi32, #tpu.memory_space<vmem>> -> memref<32xi32, #tpu.memory_space<vmem>>
      %dma_start3A_257 = arith.constant 0 : i32
      %dma_start3A_258 = arith.constant 0 : i32
      %dma_start3A_259 = tpu.memref_slice %arg4[%dma_start3A_257, %dma_start3A_258] : memref<65536x768xf32, #tpu.memory_space<hbm>> -> memref<65536x768xf32, #tpu.memory_space<hbm>>
      tpu.enqueue_indirect_dma source(%dma_start3A_253 : memref<32x768xf32, #tpu.memory_space<vmem>>) target(%dma_start3A_259 : memref<65536x768xf32, #tpu.memory_space<hbm>>) offsets(%dma_start3A_256 : memref<32xi32, #tpu.memory_space<vmem>>) semaphore(%arg9 : memref<!tpu.dma_semaphore, #tpu.memory_space<semaphore_mem>>)
      %dma_wait3A_260 = arith.constant 0 : i32
      %dma_wait3A_261 = arith.constant 0 : i32
      %dma_wait3A_262 = arith.constant 0 : i32
      %dma_wait3A_263 = tpu.memref_slice %arg7[%dma_wait3A_260, %dma_wait3A_261, %dma_wait3A_262] : memref<4x32x768xf32, #tpu.memory_space<vmem>> -> memref<1x32x768xf32, #tpu.memory_space<vmem>>
      %dma_wait3A_264 = tpu.memref_squeeze %dma_wait3A_263 : memref<1x32x768xf32, #tpu.memory_space<vmem>> -> memref<32x768xf32, #tpu.memory_space<vmem>>
      %dma_wait3A_265 = arith.constant 0 : i32
      %dma_wait3A_266 = tpu.memref_slice %arg6[%add3A_232, %dma_wait3A_265] : memref<64x32xi32, #tpu.memory_space<vmem>> -> memref<1x32xi32, #tpu.memory_space<vmem>>
      %dma_wait3A_267 = tpu.memref_squeeze %dma_wait3A_266 : memref<1x32xi32, #tpu.memory_space<vmem>> -> memref<32xi32, #tpu.memory_space<vmem>>
      %dma_wait3A_268 = arith.constant 0 : i32
      %dma_wait3A_269 = arith.constant 0 : i32
      %dma_wait3A_270 = tpu.memref_slice %arg4[%dma_wait3A_268, %dma_wait3A_269] : memref<65536x768xf32, #tpu.memory_space<hbm>> -> memref<65536x768xf32, #tpu.memory_space<hbm>>
      tpu.wait_indirect_dma semaphore(%arg9 : memref<!tpu.dma_semaphore, #tpu.memory_space<semaphore_mem>>) src(%dma_wait3A_264 : memref<32x768xf32, #tpu.memory_space<vmem>>) dst(%dma_wait3A_270 : memref<65536x768xf32, #tpu.memory_space<hbm>>)
      %add3A_271 = arith.constant 4 : i32
      %add3A_272 = arith.addi %add3A_232, %add3A_271 : i32
      %mul3A_273 = arith.constant 1024 : i32
      %mul3A_274 = arith.muli %add3A_272, %mul3A_273 : i32
      %add3A_275 = arith.addi %mul3A_274, %mul3A_2 : i32
      %dma_start3A_276 = arith.constant 0 : i32
      %dma_start3A_277 = arith.constant 0 : i32
      %dma_start3A_278 = arith.constant 0 : i32
      %dma_start3A_279 = tpu.memref_slice %arg7[%dma_start3A_276, %dma_start3A_277, %dma_start3A_278] : memref<4x32x768xf32, #tpu.memory_space<vmem>> -> memref<1x32x768xf32, #tpu.memory_space<vmem>>
      %dma_start3A_280 = tpu.memref_squeeze %dma_start3A_279 : memref<1x32x768xf32, #tpu.memory_space<vmem>> -> memref<32x768xf32, #tpu.memory_space<vmem>>
      %dma_start3A_281 = arith.constant 0 : i32
      %dma_start3A_282 = tpu.memref_slice %arg2[%add3A_275, %dma_start3A_281] : memref<65536x768xf32, #tpu.memory_space<hbm>> -> memref<32x768xf32, #tpu.memory_space<hbm>>
      %dma_start3A_283 = arith.constant 0 : i32
      %dma_start3A_284 = arith.constant 0 : i32
      %dma_start3A_285 = tpu.memref_slice %arg7[%dma_start3A_276, %dma_start3A_283, %dma_start3A_284] : memref<4x32x768xf32, #tpu.memory_space<vmem>> -> memref<1x32x768xf32, #tpu.memory_space<vmem>>
      %dma_start3A_286 = tpu.memref_squeeze %dma_start3A_285 : memref<1x32x768xf32, #tpu.memory_space<vmem>> -> memref<32x768xf32, #tpu.memory_space<vmem>>
      %dma_start3A_287 = arith.constant 0 : i32
      %dma_start3A_288 = tpu.memref_slice %arg2[%add3A_275, %dma_start3A_287] : memref<65536x768xf32, #tpu.memory_space<hbm>> -> memref<32x768xf32, #tpu.memory_space<hbm>>
      tpu.enqueue_dma source(%dma_start3A_288 : memref<32x768xf32, #tpu.memory_space<hbm>>) target(%dma_start3A_286 : memref<32x768xf32, #tpu.memory_space<vmem>>) target_semaphore(%arg8 : memref<!tpu.dma_semaphore, #tpu.memory_space<semaphore_mem>>)
      %mul3A_289 = arith.constant 4 : i32
      %mul3A_290 = arith.muli %scan3A_228, %mul3A_289 : i32
      %add3A_291 = arith.constant 1 : i32
      %add3A_292 = arith.addi %mul3A_290, %add3A_291 : i32
      %mul3A_293 = arith.constant 1024 : i32
      %mul3A_294 = arith.muli %add3A_292, %mul3A_293 : i32
      %add3A_295 = arith.addi %mul3A_294, %mul3A_2 : i32
      %dma_wait3A_296 = arith.constant 1 : i32
      %dma_wait3A_297 = arith.constant 0 : i32
      %dma_wait3A_298 = arith.constant 0 : i32
      %dma_wait3A_299 = tpu.memref_slice %arg7[%dma_wait3A_296, %dma_wait3A_297, %dma_wait3A_298] : memref<4x32x768xf32, #tpu.memory_space<vmem>> -> memref<1x32x768xf32, #tpu.memory_space<vmem>>
      %dma_wait3A_300 = tpu.memref_squeeze %dma_wait3A_299 : memref<1x32x768xf32, #tpu.memory_space<vmem>> -> memref<32x768xf32, #tpu.memory_space<vmem>>
      %dma_wait3A_301 = arith.constant 0 : i32
      %dma_wait3A_302 = tpu.memref_slice %arg2[%add3A_295, %dma_wait3A_301] : memref<65536x768xf32, #tpu.memory_space<hbm>> -> memref<32x768xf32, #tpu.memory_space<hbm>>
      %dma_wait3A_303 = arith.constant 0 : i32
      %dma_wait3A_304 = arith.constant 0 : i32
      %dma_wait3A_305 = tpu.memref_slice %arg7[%dma_wait3A_296, %dma_wait3A_303, %dma_wait3A_304] : memref<4x32x768xf32, #tpu.memory_space<vmem>> -> memref<1x32x768xf32, #tpu.memory_space<vmem>>
      %dma_wait3A_306 = tpu.memref_squeeze %dma_wait3A_305 : memref<1x32x768xf32, #tpu.memory_space<vmem>> -> memref<32x768xf32, #tpu.memory_space<vmem>>
      %dma_wait3A_307 = arith.constant 0 : i32
      %dma_wait3A_308 = tpu.memref_slice %arg2[%add3A_295, %dma_wait3A_307] : memref<65536x768xf32, #tpu.memory_space<hbm>> -> memref<32x768xf32, #tpu.memory_space<hbm>>
      tpu.wait_dma2 semaphore(%arg8 : memref<!tpu.dma_semaphore, #tpu.memory_space<semaphore_mem>>) src(%dma_wait3A_308 : memref<32x768xf32, #tpu.memory_space<hbm>>) dst(%dma_wait3A_306 : memref<32x768xf32, #tpu.memory_space<vmem>>)
      %dma_start3A_309 = arith.constant 1 : i32
      %dma_start3A_310 = arith.constant 0 : i32
      %dma_start3A_311 = arith.constant 0 : i32
      %dma_start3A_312 = tpu.memref_slice %arg7[%dma_start3A_309, %dma_start3A_310, %dma_start3A_311] : memref<4x32x768xf32, #tpu.memory_space<vmem>> -> memref<1x32x768xf32, #tpu.memory_space<vmem>>
      %dma_start3A_313 = tpu.memref_squeeze %dma_start3A_312 : memref<1x32x768xf32, #tpu.memory_space<vmem>> -> memref<32x768xf32, #tpu.memory_space<vmem>>
      %dma_start3A_314 = arith.constant 0 : i32
      %dma_start3A_315 = tpu.memref_slice %arg6[%add3A_292, %dma_start3A_314] : memref<64x32xi32, #tpu.memory_space<vmem>> -> memref<1x32xi32, #tpu.memory_space<vmem>>
      %dma_start3A_316 = tpu.memref_squeeze %dma_start3A_315 : memref<1x32xi32, #tpu.memory_space<vmem>> -> memref<32xi32, #tpu.memory_space<vmem>>
      %dma_start3A_317 = arith.constant 0 : i32
      %dma_start3A_318 = arith.constant 0 : i32
      %dma_start3A_319 = tpu.memref_slice %arg4[%dma_start3A_317, %dma_start3A_318] : memref<65536x768xf32, #tpu.memory_space<hbm>> -> memref<65536x768xf32, #tpu.memory_space<hbm>>
      tpu.enqueue_indirect_dma source(%dma_start3A_313 : memref<32x768xf32, #tpu.memory_space<vmem>>) target(%dma_start3A_319 : memref<65536x768xf32, #tpu.memory_space<hbm>>) offsets(%dma_start3A_316 : memref<32xi32, #tpu.memory_space<vmem>>) semaphore(%arg9 : memref<!tpu.dma_semaphore, #tpu.memory_space<semaphore_mem>>)
      %dma_wait3A_320 = arith.constant 1 : i32
      %dma_wait3A_321 = arith.constant 0 : i32
      %dma_wait3A_322 = arith.constant 0 : i32
      %dma_wait3A_323 = tpu.memref_slice %arg7[%dma_wait3A_320, %dma_wait3A_321, %dma_wait3A_322] : memref<4x32x768xf32, #tpu.memory_space<vmem>> -> memref<1x32x768xf32, #tpu.memory_space<vmem>>
      %dma_wait3A_324 = tpu.memref_squeeze %dma_wait3A_323 : memref<1x32x768xf32, #tpu.memory_space<vmem>> -> memref<32x768xf32, #tpu.memory_space<vmem>>
      %dma_wait3A_325 = arith.constant 0 : i32
      %dma_wait3A_326 = tpu.memref_slice %arg6[%add3A_292, %dma_wait3A_325] : memref<64x32xi32, #tpu.memory_space<vmem>> -> memref<1x32xi32, #tpu.memory_space<vmem>>
      %dma_wait3A_327 = tpu.memref_squeeze %dma_wait3A_326 : memref<1x32xi32, #tpu.memory_space<vmem>> -> memref<32xi32, #tpu.memory_space<vmem>>
      %dma_wait3A_328 = arith.constant 0 : i32
      %dma_wait3A_329 = arith.constant 0 : i32
      %dma_wait3A_330 = tpu.memref_slice %arg4[%dma_wait3A_328, %dma_wait3A_329] : memref<65536x768xf32, #tpu.memory_space<hbm>> -> memref<65536x768xf32, #tpu.memory_space<hbm>>
      tpu.wait_indirect_dma semaphore(%arg9 : memref<!tpu.dma_semaphore, #tpu.memory_space<semaphore_mem>>) src(%dma_wait3A_324 : memref<32x768xf32, #tpu.memory_space<vmem>>) dst(%dma_wait3A_330 : memref<65536x768xf32, #tpu.memory_space<hbm>>)
      %add3A_331 = arith.constant 4 : i32
      %add3A_332 = arith.addi %add3A_292, %add3A_331 : i32
      %mul3A_333 = arith.constant 1024 : i32
      %mul3A_334 = arith.muli %add3A_332, %mul3A_333 : i32
      %add3A_335 = arith.addi %mul3A_334, %mul3A_2 : i32
      %dma_start3A_336 = arith.constant 1 : i32
      %dma_start3A_337 = arith.constant 0 : i32
      %dma_start3A_338 = arith.constant 0 : i32
      %dma_start3A_339 = tpu.memref_slice %arg7[%dma_start3A_336, %dma_start3A_337, %dma_start3A_338] : memref<4x32x768xf32, #tpu.memory_space<vmem>> -> memref<1x32x768xf32, #tpu.memory_space<vmem>>
      %dma_start3A_340 = tpu.memref_squeeze %dma_start3A_339 : memref<1x32x768xf32, #tpu.memory_space<vmem>> -> memref<32x768xf32, #tpu.memory_space<vmem>>
      %dma_start3A_341 = arith.constant 0 : i32
      %dma_start3A_342 = tpu.memref_slice %arg2[%add3A_335, %dma_start3A_341] : memref<65536x768xf32, #tpu.memory_space<hbm>> -> memref<32x768xf32, #tpu.memory_space<hbm>>
      %dma_start3A_343 = arith.constant 0 : i32
      %dma_start3A_344 = arith.constant 0 : i32
      %dma_start3A_345 = tpu.memref_slice %arg7[%dma_start3A_336, %dma_start3A_343, %dma_start3A_344] : memref<4x32x768xf32, #tpu.memory_space<vmem>> -> memref<1x32x768xf32, #tpu.memory_space<vmem>>
      %dma_start3A_346 = tpu.memref_squeeze %dma_start3A_345 : memref<1x32x768xf32, #tpu.memory_space<vmem>> -> memref<32x768xf32, #tpu.memory_space<vmem>>
      %dma_start3A_347 = arith.constant 0 : i32
      %dma_start3A_348 = tpu.memref_slice %arg2[%add3A_335, %dma_start3A_347] : memref<65536x768xf32, #tpu.memory_space<hbm>> -> memref<32x768xf32, #tpu.memory_space<hbm>>
      tpu.enqueue_dma source(%dma_start3A_348 : memref<32x768xf32, #tpu.memory_space<hbm>>) target(%dma_start3A_346 : memref<32x768xf32, #tpu.memory_space<vmem>>) target_semaphore(%arg8 : memref<!tpu.dma_semaphore, #tpu.memory_space<semaphore_mem>>)
      %mul3A_349 = arith.constant 4 : i32
      %mul3A_350 = arith.muli %scan3A_228, %mul3A_349 : i32
      %add3A_351 = arith.constant 2 : i32
      %add3A_352 = arith.addi %mul3A_350, %add3A_351 : i32
      %mul3A_353 = arith.constant 1024 : i32
      %mul3A_354 = arith.muli %add3A_352, %mul3A_353 : i32
      %add3A_355 = arith.addi %mul3A_354, %mul3A_2 : i32
      %dma_wait3A_356 = arith.constant 2 : i32
      %dma_wait3A_357 = arith.constant 0 : i32
      %dma_wait3A_358 = arith.constant 0 : i32
      %dma_wait3A_359 = tpu.memref_slice %arg7[%dma_wait3A_356, %dma_wait3A_357, %dma_wait3A_358] : memref<4x32x768xf32, #tpu.memory_space<vmem>> -> memref<1x32x768xf32, #tpu.memory_space<vmem>>
      %dma_wait3A_360 = tpu.memref_squeeze %dma_wait3A_359 : memref<1x32x768xf32, #tpu.memory_space<vmem>> -> memref<32x768xf32, #tpu.memory_space<vmem>>
      %dma_wait3A_361 = arith.constant 0 : i32
      %dma_wait3A_362 = tpu.memref_slice %arg2[%add3A_355, %dma_wait3A_361] : memref<65536x768xf32, #tpu.memory_space<hbm>> -> memref<32x768xf32, #tpu.memory_space<hbm>>
      %dma_wait3A_363 = arith.constant 0 : i32
      %dma_wait3A_364 = arith.constant 0 : i32
      %dma_wait3A_365 = tpu.memref_slice %arg7[%dma_wait3A_356, %dma_wait3A_363, %dma_wait3A_364] : memref<4x32x768xf32, #tpu.memory_space<vmem>> -> memref<1x32x768xf32, #tpu.memory_space<vmem>>
      %dma_wait3A_366 = tpu.memref_squeeze %dma_wait3A_365 : memref<1x32x768xf32, #tpu.memory_space<vmem>> -> memref<32x768xf32, #tpu.memory_space<vmem>>
      %dma_wait3A_367 = arith.constant 0 : i32
      %dma_wait3A_368 = tpu.memref_slice %arg2[%add3A_355, %dma_wait3A_367] : memref<65536x768xf32, #tpu.memory_space<hbm>> -> memref<32x768xf32, #tpu.memory_space<hbm>>
      tpu.wait_dma2 semaphore(%arg8 : memref<!tpu.dma_semaphore, #tpu.memory_space<semaphore_mem>>) src(%dma_wait3A_368 : memref<32x768xf32, #tpu.memory_space<hbm>>) dst(%dma_wait3A_366 : memref<32x768xf32, #tpu.memory_space<vmem>>)
      %dma_start3A_369 = arith.constant 2 : i32
      %dma_start3A_370 = arith.constant 0 : i32
      %dma_start3A_371 = arith.constant 0 : i32
      %dma_start3A_372 = tpu.memref_slice %arg7[%dma_start3A_369, %dma_start3A_370, %dma_start3A_371] : memref<4x32x768xf32, #tpu.memory_space<vmem>> -> memref<1x32x768xf32, #tpu.memory_space<vmem>>
      %dma_start3A_373 = tpu.memref_squeeze %dma_start3A_372 : memref<1x32x768xf32, #tpu.memory_space<vmem>> -> memref<32x768xf32, #tpu.memory_space<vmem>>
      %dma_start3A_374 = arith.constant 0 : i32
      %dma_start3A_375 = tpu.memref_slice %arg6[%add3A_352, %dma_start3A_374] : memref<64x32xi32, #tpu.memory_space<vmem>> -> memref<1x32xi32, #tpu.memory_space<vmem>>
      %dma_start3A_376 = tpu.memref_squeeze %dma_start3A_375 : memref<1x32xi32, #tpu.memory_space<vmem>> -> memref<32xi32, #tpu.memory_space<vmem>>
      %dma_start3A_377 = arith.constant 0 : i32
      %dma_start3A_378 = arith.constant 0 : i32
      %dma_start3A_379 = tpu.memref_slice %arg4[%dma_start3A_377, %dma_start3A_378] : memref<65536x768xf32, #tpu.memory_space<hbm>> -> memref<65536x768xf32, #tpu.memory_space<hbm>>
      tpu.enqueue_indirect_dma source(%dma_start3A_373 : memref<32x768xf32, #tpu.memory_space<vmem>>) target(%dma_start3A_379 : memref<65536x768xf32, #tpu.memory_space<hbm>>) offsets(%dma_start3A_376 : memref<32xi32, #tpu.memory_space<vmem>>) semaphore(%arg9 : memref<!tpu.dma_semaphore, #tpu.memory_space<semaphore_mem>>)
      %dma_wait3A_380 = arith.constant 2 : i32
      %dma_wait3A_381 = arith.constant 0 : i32
      %dma_wait3A_382 = arith.constant 0 : i32
      %dma_wait3A_383 = tpu.memref_slice %arg7[%dma_wait3A_380, %dma_wait3A_381, %dma_wait3A_382] : memref<4x32x768xf32, #tpu.memory_space<vmem>> -> memref<1x32x768xf32, #tpu.memory_space<vmem>>
      %dma_wait3A_384 = tpu.memref_squeeze %dma_wait3A_383 : memref<1x32x768xf32, #tpu.memory_space<vmem>> -> memref<32x768xf32, #tpu.memory_space<vmem>>
      %dma_wait3A_385 = arith.constant 0 : i32
      %dma_wait3A_386 = tpu.memref_slice %arg6[%add3A_352, %dma_wait3A_385] : memref<64x32xi32, #tpu.memory_space<vmem>> -> memref<1x32xi32, #tpu.memory_space<vmem>>
      %dma_wait3A_387 = tpu.memref_squeeze %dma_wait3A_386 : memref<1x32xi32, #tpu.memory_space<vmem>> -> memref<32xi32, #tpu.memory_space<vmem>>
      %dma_wait3A_388 = arith.constant 0 : i32
      %dma_wait3A_389 = arith.constant 0 : i32
      %dma_wait3A_390 = tpu.memref_slice %arg4[%dma_wait3A_388, %dma_wait3A_389] : memref<65536x768xf32, #tpu.memory_space<hbm>> -> memref<65536x768xf32, #tpu.memory_space<hbm>>
      tpu.wait_indirect_dma semaphore(%arg9 : memref<!tpu.dma_semaphore, #tpu.memory_space<semaphore_mem>>) src(%dma_wait3A_384 : memref<32x768xf32, #tpu.memory_space<vmem>>) dst(%dma_wait3A_390 : memref<65536x768xf32, #tpu.memory_space<hbm>>)
      %add3A_391 = arith.constant 4 : i32
      %add3A_392 = arith.addi %add3A_352, %add3A_391 : i32
      %mul3A_393 = arith.constant 1024 : i32
      %mul3A_394 = arith.muli %add3A_392, %mul3A_393 : i32
      %add3A_395 = arith.addi %mul3A_394, %mul3A_2 : i32
      %dma_start3A_396 = arith.constant 2 : i32
      %dma_start3A_397 = arith.constant 0 : i32
      %dma_start3A_398 = arith.constant 0 : i32
      %dma_start3A_399 = tpu.memref_slice %arg7[%dma_start3A_396, %dma_start3A_397, %dma_start3A_398] : memref<4x32x768xf32, #tpu.memory_space<vmem>> -> memref<1x32x768xf32, #tpu.memory_space<vmem>>
      %dma_start3A_400 = tpu.memref_squeeze %dma_start3A_399 : memref<1x32x768xf32, #tpu.memory_space<vmem>> -> memref<32x768xf32, #tpu.memory_space<vmem>>
      %dma_start3A_401 = arith.constant 0 : i32
      %dma_start3A_402 = tpu.memref_slice %arg2[%add3A_395, %dma_start3A_401] : memref<65536x768xf32, #tpu.memory_space<hbm>> -> memref<32x768xf32, #tpu.memory_space<hbm>>
      %dma_start3A_403 = arith.constant 0 : i32
      %dma_start3A_404 = arith.constant 0 : i32
      %dma_start3A_405 = tpu.memref_slice %arg7[%dma_start3A_396, %dma_start3A_403, %dma_start3A_404] : memref<4x32x768xf32, #tpu.memory_space<vmem>> -> memref<1x32x768xf32, #tpu.memory_space<vmem>>
      %dma_start3A_406 = tpu.memref_squeeze %dma_start3A_405 : memref<1x32x768xf32, #tpu.memory_space<vmem>> -> memref<32x768xf32, #tpu.memory_space<vmem>>
      %dma_start3A_407 = arith.constant 0 : i32
      %dma_start3A_408 = tpu.memref_slice %arg2[%add3A_395, %dma_start3A_407] : memref<65536x768xf32, #tpu.memory_space<hbm>> -> memref<32x768xf32, #tpu.memory_space<hbm>>
      tpu.enqueue_dma source(%dma_start3A_408 : memref<32x768xf32, #tpu.memory_space<hbm>>) target(%dma_start3A_406 : memref<32x768xf32, #tpu.memory_space<vmem>>) target_semaphore(%arg8 : memref<!tpu.dma_semaphore, #tpu.memory_space<semaphore_mem>>)
      %mul3A_409 = arith.constant 4 : i32
      %mul3A_410 = arith.muli %scan3A_228, %mul3A_409 : i32
      %add3A_411 = arith.constant 3 : i32
      %add3A_412 = arith.addi %mul3A_410, %add3A_411 : i32
      %mul3A_413 = arith.constant 1024 : i32
      %mul3A_414 = arith.muli %add3A_412, %mul3A_413 : i32
      %add3A_415 = arith.addi %mul3A_414, %mul3A_2 : i32
      %dma_wait3A_416 = arith.constant 3 : i32
      %dma_wait3A_417 = arith.constant 0 : i32
      %dma_wait3A_418 = arith.constant 0 : i32
      %dma_wait3A_419 = tpu.memref_slice %arg7[%dma_wait3A_416, %dma_wait3A_417, %dma_wait3A_418] : memref<4x32x768xf32, #tpu.memory_space<vmem>> -> memref<1x32x768xf32, #tpu.memory_space<vmem>>
      %dma_wait3A_420 = tpu.memref_squeeze %dma_wait3A_419 : memref<1x32x768xf32, #tpu.memory_space<vmem>> -> memref<32x768xf32, #tpu.memory_space<vmem>>
      %dma_wait3A_421 = arith.constant 0 : i32
      %dma_wait3A_422 = tpu.memref_slice %arg2[%add3A_415, %dma_wait3A_421] : memref<65536x768xf32, #tpu.memory_space<hbm>> -> memref<32x768xf32, #tpu.memory_space<hbm>>
      %dma_wait3A_423 = arith.constant 0 : i32
      %dma_wait3A_424 = arith.constant 0 : i32
      %dma_wait3A_425 = tpu.memref_slice %arg7[%dma_wait3A_416, %dma_wait3A_423, %dma_wait3A_424] : memref<4x32x768xf32, #tpu.memory_space<vmem>> -> memref<1x32x768xf32, #tpu.memory_space<vmem>>
      %dma_wait3A_426 = tpu.memref_squeeze %dma_wait3A_425 : memref<1x32x768xf32, #tpu.memory_space<vmem>> -> memref<32x768xf32, #tpu.memory_space<vmem>>
      %dma_wait3A_427 = arith.constant 0 : i32
      %dma_wait3A_428 = tpu.memref_slice %arg2[%add3A_415, %dma_wait3A_427] : memref<65536x768xf32, #tpu.memory_space<hbm>> -> memref<32x768xf32, #tpu.memory_space<hbm>>
      tpu.wait_dma2 semaphore(%arg8 : memref<!tpu.dma_semaphore, #tpu.memory_space<semaphore_mem>>) src(%dma_wait3A_428 : memref<32x768xf32, #tpu.memory_space<hbm>>) dst(%dma_wait3A_426 : memref<32x768xf32, #tpu.memory_space<vmem>>)
      %dma_start3A_429 = arith.constant 3 : i32
      %dma_start3A_430 = arith.constant 0 : i32
      %dma_start3A_431 = arith.constant 0 : i32
      %dma_start3A_432 = tpu.memref_slice %arg7[%dma_start3A_429, %dma_start3A_430, %dma_start3A_431] : memref<4x32x768xf32, #tpu.memory_space<vmem>> -> memref<1x32x768xf32, #tpu.memory_space<vmem>>
      %dma_start3A_433 = tpu.memref_squeeze %dma_start3A_432 : memref<1x32x768xf32, #tpu.memory_space<vmem>> -> memref<32x768xf32, #tpu.memory_space<vmem>>
      %dma_start3A_434 = arith.constant 0 : i32
      %dma_start3A_435 = tpu.memref_slice %arg6[%add3A_412, %dma_start3A_434] : memref<64x32xi32, #tpu.memory_space<vmem>> -> memref<1x32xi32, #tpu.memory_space<vmem>>
      %dma_start3A_436 = tpu.memref_squeeze %dma_start3A_435 : memref<1x32xi32, #tpu.memory_space<vmem>> -> memref<32xi32, #tpu.memory_space<vmem>>
      %dma_start3A_437 = arith.constant 0 : i32
      %dma_start3A_438 = arith.constant 0 : i32
      %dma_start3A_439 = tpu.memref_slice %arg4[%dma_start3A_437, %dma_start3A_438] : memref<65536x768xf32, #tpu.memory_space<hbm>> -> memref<65536x768xf32, #tpu.memory_space<hbm>>
      tpu.enqueue_indirect_dma source(%dma_start3A_433 : memref<32x768xf32, #tpu.memory_space<vmem>>) target(%dma_start3A_439 : memref<65536x768xf32, #tpu.memory_space<hbm>>) offsets(%dma_start3A_436 : memref<32xi32, #tpu.memory_space<vmem>>) semaphore(%arg9 : memref<!tpu.dma_semaphore, #tpu.memory_space<semaphore_mem>>)
      %dma_wait3A_440 = arith.constant 3 : i32
      %dma_wait3A_441 = arith.constant 0 : i32
      %dma_wait3A_442 = arith.constant 0 : i32
      %dma_wait3A_443 = tpu.memref_slice %arg7[%dma_wait3A_440, %dma_wait3A_441, %dma_wait3A_442] : memref<4x32x768xf32, #tpu.memory_space<vmem>> -> memref<1x32x768xf32, #tpu.memory_space<vmem>>
      %dma_wait3A_444 = tpu.memref_squeeze %dma_wait3A_443 : memref<1x32x768xf32, #tpu.memory_space<vmem>> -> memref<32x768xf32, #tpu.memory_space<vmem>>
      %dma_wait3A_445 = arith.constant 0 : i32
      %dma_wait3A_446 = tpu.memref_slice %arg6[%add3A_412, %dma_wait3A_445] : memref<64x32xi32, #tpu.memory_space<vmem>> -> memref<1x32xi32, #tpu.memory_space<vmem>>
      %dma_wait3A_447 = tpu.memref_squeeze %dma_wait3A_446 : memref<1x32xi32, #tpu.memory_space<vmem>> -> memref<32xi32, #tpu.memory_space<vmem>>
      %dma_wait3A_448 = arith.constant 0 : i32
      %dma_wait3A_449 = arith.constant 0 : i32
      %dma_wait3A_450 = tpu.memref_slice %arg4[%dma_wait3A_448, %dma_wait3A_449] : memref<65536x768xf32, #tpu.memory_space<hbm>> -> memref<65536x768xf32, #tpu.memory_space<hbm>>
      tpu.wait_indirect_dma semaphore(%arg9 : memref<!tpu.dma_semaphore, #tpu.memory_space<semaphore_mem>>) src(%dma_wait3A_444 : memref<32x768xf32, #tpu.memory_space<vmem>>) dst(%dma_wait3A_450 : memref<65536x768xf32, #tpu.memory_space<hbm>>)
      %add3A_451 = arith.constant 4 : i32
      %add3A_452 = arith.addi %add3A_412, %add3A_451 : i32
      %mul3A_453 = arith.constant 1024 : i32
      %mul3A_454 = arith.muli %add3A_452, %mul3A_453 : i32
      %add3A_455 = arith.addi %mul3A_454, %mul3A_2 : i32
      %dma_start3A_456 = arith.constant 3 : i32
      %dma_start3A_457 = arith.constant 0 : i32
      %dma_start3A_458 = arith.constant 0 : i32
      %dma_start3A_459 = tpu.memref_slice %arg7[%dma_start3A_456, %dma_start3A_457, %dma_start3A_458] : memref<4x32x768xf32, #tpu.memory_space<vmem>> -> memref<1x32x768xf32, #tpu.memory_space<vmem>>
      %dma_start3A_460 = tpu.memref_squeeze %dma_start3A_459 : memref<1x32x768xf32, #tpu.memory_space<vmem>> -> memref<32x768xf32, #tpu.memory_space<vmem>>
      %dma_start3A_461 = arith.constant 0 : i32
      %dma_start3A_462 = tpu.memref_slice %arg2[%add3A_455, %dma_start3A_461] : memref<65536x768xf32, #tpu.memory_space<hbm>> -> memref<32x768xf32, #tpu.memory_space<hbm>>
      %dma_start3A_463 = arith.constant 0 : i32
      %dma_start3A_464 = arith.constant 0 : i32
      %dma_start3A_465 = tpu.memref_slice %arg7[%dma_start3A_456, %dma_start3A_463, %dma_start3A_464] : memref<4x32x768xf32, #tpu.memory_space<vmem>> -> memref<1x32x768xf32, #tpu.memory_space<vmem>>
      %dma_start3A_466 = tpu.memref_squeeze %dma_start3A_465 : memref<1x32x768xf32, #tpu.memory_space<vmem>> -> memref<32x768xf32, #tpu.memory_space<vmem>>
      %dma_start3A_467 = arith.constant 0 : i32
      %dma_start3A_468 = tpu.memref_slice %arg2[%add3A_455, %dma_start3A_467] : memref<65536x768xf32, #tpu.memory_space<hbm>> -> memref<32x768xf32, #tpu.memory_space<hbm>>
      tpu.enqueue_dma source(%dma_start3A_468 : memref<32x768xf32, #tpu.memory_space<hbm>>) target(%dma_start3A_466 : memref<32x768xf32, #tpu.memory_space<vmem>>) target_semaphore(%arg8 : memref<!tpu.dma_semaphore, #tpu.memory_space<semaphore_mem>>)
    }
    %scan3A_72 = arith.constant 15 : i32
    %add3A_73 = arith.constant 61440 : i32
    %add3A_74 = arith.addi %add3A_73, %mul3A_2 : i32
    %dma_wait3A = arith.constant 0 : i32
    %dma_wait3A_75 = arith.constant 0 : i32
    %dma_wait3A_76 = arith.constant 0 : i32
    %dma_wait3A_77 = tpu.memref_slice %arg7[%dma_wait3A, %dma_wait3A_75, %dma_wait3A_76] : memref<4x32x768xf32, #tpu.memory_space<vmem>> -> memref<1x32x768xf32, #tpu.memory_space<vmem>>
    %dma_wait3A_78 = tpu.memref_squeeze %dma_wait3A_77 : memref<1x32x768xf32, #tpu.memory_space<vmem>> -> memref<32x768xf32, #tpu.memory_space<vmem>>
    %dma_wait3A_79 = arith.constant 0 : i32
    %dma_wait3A_80 = tpu.memref_slice %arg2[%add3A_74, %dma_wait3A_79] : memref<65536x768xf32, #tpu.memory_space<hbm>> -> memref<32x768xf32, #tpu.memory_space<hbm>>
    %dma_wait3A_81 = arith.constant 0 : i32
    %dma_wait3A_82 = arith.constant 0 : i32
    %dma_wait3A_83 = tpu.memref_slice %arg7[%dma_wait3A, %dma_wait3A_81, %dma_wait3A_82] : memref<4x32x768xf32, #tpu.memory_space<vmem>> -> memref<1x32x768xf32, #tpu.memory_space<vmem>>
    %dma_wait3A_84 = tpu.memref_squeeze %dma_wait3A_83 : memref<1x32x768xf32, #tpu.memory_space<vmem>> -> memref<32x768xf32, #tpu.memory_space<vmem>>
    %dma_wait3A_85 = arith.constant 0 : i32
    %dma_wait3A_86 = tpu.memref_slice %arg2[%add3A_74, %dma_wait3A_85] : memref<65536x768xf32, #tpu.memory_space<hbm>> -> memref<32x768xf32, #tpu.memory_space<hbm>>
    tpu.wait_dma2 semaphore(%arg8 : memref<!tpu.dma_semaphore, #tpu.memory_space<semaphore_mem>>) src(%dma_wait3A_86 : memref<32x768xf32, #tpu.memory_space<hbm>>) dst(%dma_wait3A_84 : memref<32x768xf32, #tpu.memory_space<vmem>>)
    %dma_start3A_87 = arith.constant 0 : i32
    %dma_start3A_88 = arith.constant 60 : i32
    %dma_start3A_89 = arith.constant 0 : i32
    %dma_start3A_90 = arith.constant 0 : i32
    %dma_start3A_91 = tpu.memref_slice %arg7[%dma_start3A_87, %dma_start3A_89, %dma_start3A_90] : memref<4x32x768xf32, #tpu.memory_space<vmem>> -> memref<1x32x768xf32, #tpu.memory_space<vmem>>
    %dma_start3A_92 = tpu.memref_squeeze %dma_start3A_91 : memref<1x32x768xf32, #tpu.memory_space<vmem>> -> memref<32x768xf32, #tpu.memory_space<vmem>>
    %dma_start3A_93 = arith.constant 0 : i32
    %dma_start3A_94 = tpu.memref_slice %arg6[%dma_start3A_88, %dma_start3A_93] : memref<64x32xi32, #tpu.memory_space<vmem>> -> memref<1x32xi32, #tpu.memory_space<vmem>>
    %dma_start3A_95 = tpu.memref_squeeze %dma_start3A_94 : memref<1x32xi32, #tpu.memory_space<vmem>> -> memref<32xi32, #tpu.memory_space<vmem>>
    %dma_start3A_96 = arith.constant 0 : i32
    %dma_start3A_97 = arith.constant 0 : i32
    %dma_start3A_98 = tpu.memref_slice %arg4[%dma_start3A_96, %dma_start3A_97] : memref<65536x768xf32, #tpu.memory_space<hbm>> -> memref<65536x768xf32, #tpu.memory_space<hbm>>
    tpu.enqueue_indirect_dma source(%dma_start3A_92 : memref<32x768xf32, #tpu.memory_space<vmem>>) target(%dma_start3A_98 : memref<65536x768xf32, #tpu.memory_space<hbm>>) offsets(%dma_start3A_95 : memref<32xi32, #tpu.memory_space<vmem>>) semaphore(%arg9 : memref<!tpu.dma_semaphore, #tpu.memory_space<semaphore_mem>>)
    %add3A_99 = arith.constant 62464 : i32
    %add3A_100 = arith.addi %add3A_99, %mul3A_2 : i32
    %dma_wait3A_101 = arith.constant 1 : i32
    %dma_wait3A_102 = arith.constant 0 : i32
    %dma_wait3A_103 = arith.constant 0 : i32
    %dma_wait3A_104 = tpu.memref_slice %arg7[%dma_wait3A_101, %dma_wait3A_102, %dma_wait3A_103] : memref<4x32x768xf32, #tpu.memory_space<vmem>> -> memref<1x32x768xf32, #tpu.memory_space<vmem>>
    %dma_wait3A_105 = tpu.memref_squeeze %dma_wait3A_104 : memref<1x32x768xf32, #tpu.memory_space<vmem>> -> memref<32x768xf32, #tpu.memory_space<vmem>>
    %dma_wait3A_106 = arith.constant 0 : i32
    %dma_wait3A_107 = tpu.memref_slice %arg2[%add3A_100, %dma_wait3A_106] : memref<65536x768xf32, #tpu.memory_space<hbm>> -> memref<32x768xf32, #tpu.memory_space<hbm>>
    %dma_wait3A_108 = arith.constant 0 : i32
    %dma_wait3A_109 = arith.constant 0 : i32
    %dma_wait3A_110 = tpu.memref_slice %arg7[%dma_wait3A_101, %dma_wait3A_108, %dma_wait3A_109] : memref<4x32x768xf32, #tpu.memory_space<vmem>> -> memref<1x32x768xf32, #tpu.memory_space<vmem>>
    %dma_wait3A_111 = tpu.memref_squeeze %dma_wait3A_110 : memref<1x32x768xf32, #tpu.memory_space<vmem>> -> memref<32x768xf32, #tpu.memory_space<vmem>>
    %dma_wait3A_112 = arith.constant 0 : i32
    %dma_wait3A_113 = tpu.memref_slice %arg2[%add3A_100, %dma_wait3A_112] : memref<65536x768xf32, #tpu.memory_space<hbm>> -> memref<32x768xf32, #tpu.memory_space<hbm>>
    tpu.wait_dma2 semaphore(%arg8 : memref<!tpu.dma_semaphore, #tpu.memory_space<semaphore_mem>>) src(%dma_wait3A_113 : memref<32x768xf32, #tpu.memory_space<hbm>>) dst(%dma_wait3A_111 : memref<32x768xf32, #tpu.memory_space<vmem>>)
    %dma_start3A_114 = arith.constant 1 : i32
    %dma_start3A_115 = arith.constant 61 : i32
    %dma_start3A_116 = arith.constant 0 : i32
    %dma_start3A_117 = arith.constant 0 : i32
    %dma_start3A_118 = tpu.memref_slice %arg7[%dma_start3A_114, %dma_start3A_116, %dma_start3A_117] : memref<4x32x768xf32, #tpu.memory_space<vmem>> -> memref<1x32x768xf32, #tpu.memory_space<vmem>>
    %dma_start3A_119 = tpu.memref_squeeze %dma_start3A_118 : memref<1x32x768xf32, #tpu.memory_space<vmem>> -> memref<32x768xf32, #tpu.memory_space<vmem>>
    %dma_start3A_120 = arith.constant 0 : i32
    %dma_start3A_121 = tpu.memref_slice %arg6[%dma_start3A_115, %dma_start3A_120] : memref<64x32xi32, #tpu.memory_space<vmem>> -> memref<1x32xi32, #tpu.memory_space<vmem>>
    %dma_start3A_122 = tpu.memref_squeeze %dma_start3A_121 : memref<1x32xi32, #tpu.memory_space<vmem>> -> memref<32xi32, #tpu.memory_space<vmem>>
    %dma_start3A_123 = arith.constant 0 : i32
    %dma_start3A_124 = arith.constant 0 : i32
    %dma_start3A_125 = tpu.memref_slice %arg4[%dma_start3A_123, %dma_start3A_124] : memref<65536x768xf32, #tpu.memory_space<hbm>> -> memref<65536x768xf32, #tpu.memory_space<hbm>>
    tpu.enqueue_indirect_dma source(%dma_start3A_119 : memref<32x768xf32, #tpu.memory_space<vmem>>) target(%dma_start3A_125 : memref<65536x768xf32, #tpu.memory_space<hbm>>) offsets(%dma_start3A_122 : memref<32xi32, #tpu.memory_space<vmem>>) semaphore(%arg9 : memref<!tpu.dma_semaphore, #tpu.memory_space<semaphore_mem>>)
    %add3A_126 = arith.constant 63488 : i32
    %add3A_127 = arith.addi %add3A_126, %mul3A_2 : i32
    %dma_wait3A_128 = arith.constant 2 : i32
    %dma_wait3A_129 = arith.constant 0 : i32
    %dma_wait3A_130 = arith.constant 0 : i32
    %dma_wait3A_131 = tpu.memref_slice %arg7[%dma_wait3A_128, %dma_wait3A_129, %dma_wait3A_130] : memref<4x32x768xf32, #tpu.memory_space<vmem>> -> memref<1x32x768xf32, #tpu.memory_space<vmem>>
    %dma_wait3A_132 = tpu.memref_squeeze %dma_wait3A_131 : memref<1x32x768xf32, #tpu.memory_space<vmem>> -> memref<32x768xf32, #tpu.memory_space<vmem>>
    %dma_wait3A_133 = arith.constant 0 : i32
    %dma_wait3A_134 = tpu.memref_slice %arg2[%add3A_127, %dma_wait3A_133] : memref<65536x768xf32, #tpu.memory_space<hbm>> -> memref<32x768xf32, #tpu.memory_space<hbm>>
    %dma_wait3A_135 = arith.constant 0 : i32
    %dma_wait3A_136 = arith.constant 0 : i32
    %dma_wait3A_137 = tpu.memref_slice %arg7[%dma_wait3A_128, %dma_wait3A_135, %dma_wait3A_136] : memref<4x32x768xf32, #tpu.memory_space<vmem>> -> memref<1x32x768xf32, #tpu.memory_space<vmem>>
    %dma_wait3A_138 = tpu.memref_squeeze %dma_wait3A_137 : memref<1x32x768xf32, #tpu.memory_space<vmem>> -> memref<32x768xf32, #tpu.memory_space<vmem>>
    %dma_wait3A_139 = arith.constant 0 : i32
    %dma_wait3A_140 = tpu.memref_slice %arg2[%add3A_127, %dma_wait3A_139] : memref<65536x768xf32, #tpu.memory_space<hbm>> -> memref<32x768xf32, #tpu.memory_space<hbm>>
    tpu.wait_dma2 semaphore(%arg8 : memref<!tpu.dma_semaphore, #tpu.memory_space<semaphore_mem>>) src(%dma_wait3A_140 : memref<32x768xf32, #tpu.memory_space<hbm>>) dst(%dma_wait3A_138 : memref<32x768xf32, #tpu.memory_space<vmem>>)
    %dma_start3A_141 = arith.constant 2 : i32
    %dma_start3A_142 = arith.constant 62 : i32
    %dma_start3A_143 = arith.constant 0 : i32
    %dma_start3A_144 = arith.constant 0 : i32
    %dma_start3A_145 = tpu.memref_slice %arg7[%dma_start3A_141, %dma_start3A_143, %dma_start3A_144] : memref<4x32x768xf32, #tpu.memory_space<vmem>> -> memref<1x32x768xf32, #tpu.memory_space<vmem>>
    %dma_start3A_146 = tpu.memref_squeeze %dma_start3A_145 : memref<1x32x768xf32, #tpu.memory_space<vmem>> -> memref<32x768xf32, #tpu.memory_space<vmem>>
    %dma_start3A_147 = arith.constant 0 : i32
    %dma_start3A_148 = tpu.memref_slice %arg6[%dma_start3A_142, %dma_start3A_147] : memref<64x32xi32, #tpu.memory_space<vmem>> -> memref<1x32xi32, #tpu.memory_space<vmem>>
    %dma_start3A_149 = tpu.memref_squeeze %dma_start3A_148 : memref<1x32xi32, #tpu.memory_space<vmem>> -> memref<32xi32, #tpu.memory_space<vmem>>
    %dma_start3A_150 = arith.constant 0 : i32
    %dma_start3A_151 = arith.constant 0 : i32
    %dma_start3A_152 = tpu.memref_slice %arg4[%dma_start3A_150, %dma_start3A_151] : memref<65536x768xf32, #tpu.memory_space<hbm>> -> memref<65536x768xf32, #tpu.memory_space<hbm>>
    tpu.enqueue_indirect_dma source(%dma_start3A_146 : memref<32x768xf32, #tpu.memory_space<vmem>>) target(%dma_start3A_152 : memref<65536x768xf32, #tpu.memory_space<hbm>>) offsets(%dma_start3A_149 : memref<32xi32, #tpu.memory_space<vmem>>) semaphore(%arg9 : memref<!tpu.dma_semaphore, #tpu.memory_space<semaphore_mem>>)
    %add3A_153 = arith.constant 64512 : i32
    %add3A_154 = arith.addi %add3A_153, %mul3A_2 : i32
    %dma_wait3A_155 = arith.constant 3 : i32
    %dma_wait3A_156 = arith.constant 0 : i32
    %dma_wait3A_157 = arith.constant 0 : i32
    %dma_wait3A_158 = tpu.memref_slice %arg7[%dma_wait3A_155, %dma_wait3A_156, %dma_wait3A_157] : memref<4x32x768xf32, #tpu.memory_space<vmem>> -> memref<1x32x768xf32, #tpu.memory_space<vmem>>
    %dma_wait3A_159 = tpu.memref_squeeze %dma_wait3A_158 : memref<1x32x768xf32, #tpu.memory_space<vmem>> -> memref<32x768xf32, #tpu.memory_space<vmem>>
    %dma_wait3A_160 = arith.constant 0 : i32
    %dma_wait3A_161 = tpu.memref_slice %arg2[%add3A_154, %dma_wait3A_160] : memref<65536x768xf32, #tpu.memory_space<hbm>> -> memref<32x768xf32, #tpu.memory_space<hbm>>
    %dma_wait3A_162 = arith.constant 0 : i32
    %dma_wait3A_163 = arith.constant 0 : i32
    %dma_wait3A_164 = tpu.memref_slice %arg7[%dma_wait3A_155, %dma_wait3A_162, %dma_wait3A_163] : memref<4x32x768xf32, #tpu.memory_space<vmem>> -> memref<1x32x768xf32, #tpu.memory_space<vmem>>
    %dma_wait3A_165 = tpu.memref_squeeze %dma_wait3A_164 : memref<1x32x768xf32, #tpu.memory_space<vmem>> -> memref<32x768xf32, #tpu.memory_space<vmem>>
    %dma_wait3A_166 = arith.constant 0 : i32
    %dma_wait3A_167 = tpu.memref_slice %arg2[%add3A_154, %dma_wait3A_166] : memref<65536x768xf32, #tpu.memory_space<hbm>> -> memref<32x768xf32, #tpu.memory_space<hbm>>
    tpu.wait_dma2 semaphore(%arg8 : memref<!tpu.dma_semaphore, #tpu.memory_space<semaphore_mem>>) src(%dma_wait3A_167 : memref<32x768xf32, #tpu.memory_space<hbm>>) dst(%dma_wait3A_165 : memref<32x768xf32, #tpu.memory_space<vmem>>)
    %dma_start3A_168 = arith.constant 3 : i32
    %dma_start3A_169 = arith.constant 63 : i32
    %dma_start3A_170 = arith.constant 0 : i32
    %dma_start3A_171 = arith.constant 0 : i32
    %dma_start3A_172 = tpu.memref_slice %arg7[%dma_start3A_168, %dma_start3A_170, %dma_start3A_171] : memref<4x32x768xf32, #tpu.memory_space<vmem>> -> memref<1x32x768xf32, #tpu.memory_space<vmem>>
    %dma_start3A_173 = tpu.memref_squeeze %dma_start3A_172 : memref<1x32x768xf32, #tpu.memory_space<vmem>> -> memref<32x768xf32, #tpu.memory_space<vmem>>
    %dma_start3A_174 = arith.constant 0 : i32
    %dma_start3A_175 = tpu.memref_slice %arg6[%dma_start3A_169, %dma_start3A_174] : memref<64x32xi32, #tpu.memory_space<vmem>> -> memref<1x32xi32, #tpu.memory_space<vmem>>
    %dma_start3A_176 = tpu.memref_squeeze %dma_start3A_175 : memref<1x32xi32, #tpu.memory_space<vmem>> -> memref<32xi32, #tpu.memory_space<vmem>>
    %dma_start3A_177 = arith.constant 0 : i32
    %dma_start3A_178 = arith.constant 0 : i32
    %dma_start3A_179 = tpu.memref_slice %arg4[%dma_start3A_177, %dma_start3A_178] : memref<65536x768xf32, #tpu.memory_space<hbm>> -> memref<65536x768xf32, #tpu.memory_space<hbm>>
    tpu.enqueue_indirect_dma source(%dma_start3A_173 : memref<32x768xf32, #tpu.memory_space<vmem>>) target(%dma_start3A_179 : memref<65536x768xf32, #tpu.memory_space<hbm>>) offsets(%dma_start3A_176 : memref<32xi32, #tpu.memory_space<vmem>>) semaphore(%arg9 : memref<!tpu.dma_semaphore, #tpu.memory_space<semaphore_mem>>)
    %dma_wait3A_180 = arith.constant 0 : i32
    %dma_wait3A_181 = arith.constant 60 : i32
    %dma_wait3A_182 = arith.constant 0 : i32
    %dma_wait3A_183 = arith.constant 0 : i32
    %dma_wait3A_184 = tpu.memref_slice %arg7[%dma_wait3A_180, %dma_wait3A_182, %dma_wait3A_183] : memref<4x32x768xf32, #tpu.memory_space<vmem>> -> memref<1x32x768xf32, #tpu.memory_space<vmem>>
    %dma_wait3A_185 = tpu.memref_squeeze %dma_wait3A_184 : memref<1x32x768xf32, #tpu.memory_space<vmem>> -> memref<32x768xf32, #tpu.memory_space<vmem>>
    %dma_wait3A_186 = arith.constant 0 : i32
    %dma_wait3A_187 = tpu.memref_slice %arg6[%dma_wait3A_181, %dma_wait3A_186] : memref<64x32xi32, #tpu.memory_space<vmem>> -> memref<1x32xi32, #tpu.memory_space<vmem>>
    %dma_wait3A_188 = tpu.memref_squeeze %dma_wait3A_187 : memref<1x32xi32, #tpu.memory_space<vmem>> -> memref<32xi32, #tpu.memory_space<vmem>>
    %dma_wait3A_189 = arith.constant 0 : i32
    %dma_wait3A_190 = arith.constant 0 : i32
    %dma_wait3A_191 = tpu.memref_slice %arg4[%dma_wait3A_189, %dma_wait3A_190] : memref<65536x768xf32, #tpu.memory_space<hbm>> -> memref<65536x768xf32, #tpu.memory_space<hbm>>
    tpu.wait_indirect_dma semaphore(%arg9 : memref<!tpu.dma_semaphore, #tpu.memory_space<semaphore_mem>>) src(%dma_wait3A_185 : memref<32x768xf32, #tpu.memory_space<vmem>>) dst(%dma_wait3A_191 : memref<65536x768xf32, #tpu.memory_space<hbm>>)
    %dma_wait3A_192 = arith.constant 1 : i32
    %dma_wait3A_193 = arith.constant 61 : i32
    %dma_wait3A_194 = arith.constant 0 : i32
    %dma_wait3A_195 = arith.constant 0 : i32
    %dma_wait3A_196 = tpu.memref_slice %arg7[%dma_wait3A_192, %dma_wait3A_194, %dma_wait3A_195] : memref<4x32x768xf32, #tpu.memory_space<vmem>> -> memref<1x32x768xf32, #tpu.memory_space<vmem>>
    %dma_wait3A_197 = tpu.memref_squeeze %dma_wait3A_196 : memref<1x32x768xf32, #tpu.memory_space<vmem>> -> memref<32x768xf32, #tpu.memory_space<vmem>>
    %dma_wait3A_198 = arith.constant 0 : i32
    %dma_wait3A_199 = tpu.memref_slice %arg6[%dma_wait3A_193, %dma_wait3A_198] : memref<64x32xi32, #tpu.memory_space<vmem>> -> memref<1x32xi32, #tpu.memory_space<vmem>>
    %dma_wait3A_200 = tpu.memref_squeeze %dma_wait3A_199 : memref<1x32xi32, #tpu.memory_space<vmem>> -> memref<32xi32, #tpu.memory_space<vmem>>
    %dma_wait3A_201 = arith.constant 0 : i32
    %dma_wait3A_202 = arith.constant 0 : i32
    %dma_wait3A_203 = tpu.memref_slice %arg4[%dma_wait3A_201, %dma_wait3A_202] : memref<65536x768xf32, #tpu.memory_space<hbm>> -> memref<65536x768xf32, #tpu.memory_space<hbm>>
    tpu.wait_indirect_dma semaphore(%arg9 : memref<!tpu.dma_semaphore, #tpu.memory_space<semaphore_mem>>) src(%dma_wait3A_197 : memref<32x768xf32, #tpu.memory_space<vmem>>) dst(%dma_wait3A_203 : memref<65536x768xf32, #tpu.memory_space<hbm>>)
    %dma_wait3A_204 = arith.constant 2 : i32
    %dma_wait3A_205 = arith.constant 62 : i32
    %dma_wait3A_206 = arith.constant 0 : i32
    %dma_wait3A_207 = arith.constant 0 : i32
    %dma_wait3A_208 = tpu.memref_slice %arg7[%dma_wait3A_204, %dma_wait3A_206, %dma_wait3A_207] : memref<4x32x768xf32, #tpu.memory_space<vmem>> -> memref<1x32x768xf32, #tpu.memory_space<vmem>>
    %dma_wait3A_209 = tpu.memref_squeeze %dma_wait3A_208 : memref<1x32x768xf32, #tpu.memory_space<vmem>> -> memref<32x768xf32, #tpu.memory_space<vmem>>
    %dma_wait3A_210 = arith.constant 0 : i32
    %dma_wait3A_211 = tpu.memref_slice %arg6[%dma_wait3A_205, %dma_wait3A_210] : memref<64x32xi32, #tpu.memory_space<vmem>> -> memref<1x32xi32, #tpu.memory_space<vmem>>
    %dma_wait3A_212 = tpu.memref_squeeze %dma_wait3A_211 : memref<1x32xi32, #tpu.memory_space<vmem>> -> memref<32xi32, #tpu.memory_space<vmem>>
    %dma_wait3A_213 = arith.constant 0 : i32
    %dma_wait3A_214 = arith.constant 0 : i32
    %dma_wait3A_215 = tpu.memref_slice %arg4[%dma_wait3A_213, %dma_wait3A_214] : memref<65536x768xf32, #tpu.memory_space<hbm>> -> memref<65536x768xf32, #tpu.memory_space<hbm>>
    tpu.wait_indirect_dma semaphore(%arg9 : memref<!tpu.dma_semaphore, #tpu.memory_space<semaphore_mem>>) src(%dma_wait3A_209 : memref<32x768xf32, #tpu.memory_space<vmem>>) dst(%dma_wait3A_215 : memref<65536x768xf32, #tpu.memory_space<hbm>>)
    %dma_wait3A_216 = arith.constant 3 : i32
    %dma_wait3A_217 = arith.constant 63 : i32
    %dma_wait3A_218 = arith.constant 0 : i32
    %dma_wait3A_219 = arith.constant 0 : i32
    %dma_wait3A_220 = tpu.memref_slice %arg7[%dma_wait3A_216, %dma_wait3A_218, %dma_wait3A_219] : memref<4x32x768xf32, #tpu.memory_space<vmem>> -> memref<1x32x768xf32, #tpu.memory_space<vmem>>
    %dma_wait3A_221 = tpu.memref_squeeze %dma_wait3A_220 : memref<1x32x768xf32, #tpu.memory_space<vmem>> -> memref<32x768xf32, #tpu.memory_space<vmem>>
    %dma_wait3A_222 = arith.constant 0 : i32
    %dma_wait3A_223 = tpu.memref_slice %arg6[%dma_wait3A_217, %dma_wait3A_222] : memref<64x32xi32, #tpu.memory_space<vmem>> -> memref<1x32xi32, #tpu.memory_space<vmem>>
    %dma_wait3A_224 = tpu.memref_squeeze %dma_wait3A_223 : memref<1x32xi32, #tpu.memory_space<vmem>> -> memref<32xi32, #tpu.memory_space<vmem>>
    %dma_wait3A_225 = arith.constant 0 : i32
    %dma_wait3A_226 = arith.constant 0 : i32
    %dma_wait3A_227 = tpu.memref_slice %arg4[%dma_wait3A_225, %dma_wait3A_226] : memref<65536x768xf32, #tpu.memory_space<hbm>> -> memref<65536x768xf32, #tpu.memory_space<hbm>>
    tpu.wait_indirect_dma semaphore(%arg9 : memref<!tpu.dma_semaphore, #tpu.memory_space<semaphore_mem>>) src(%dma_wait3A_221 : memref<32x768xf32, #tpu.memory_space<vmem>>) dst(%dma_wait3A_227 : memref<65536x768xf32, #tpu.memory_space<hbm>>)
    return
  }
}

</mosaic_0001>

<sc_bundles>
// kernel: kernel.3.cloned.1.call-start
scs
__scs_entry_jumppad:
0x0: {  	(pc) =	sbr.rel $0x88, $3  }
0x1: {  	(tag) =	ssettag $0x0;
	lr =	simm.s32 $0x1  }
0x2: {  	[smem:$0x3F9F] =	sst lr;
	_ =	strace $0xD0000000  }
0x3: {  	_ = 	snop  }
0x4: {  	_ = 	snop  }
0x5: {  	_ = 	snop  }
0x6: {  	_ = 	snop  }
0x7: {  	_ = 	snop  }
__scs_overlays_trampoline_lowered:
0x8: {  	[smem:$0x3FAE] =	sst s0  }
0x9: {  	[smem:$0x3FAF] =	sst s1  }
0xa: {  	[smem:$0x3FB0] =	sst s2  }
0xb: {  	[smem:$0x3FB1] =	sst s3  }
0xc: {  	[smem:$0x3FB2] =	sst s4  }
0xd: {  	[smem:$0x3FB3] =	sst s5  }
0xe: {  	[smem:$0x3FB4] =	sst s6  }
0xf: {  	[smem:$0x3FB5] =	sst s7  }
0x10: {  	[smem:$0x3FB6] =	sst s8  }
0x11: {  	[smem:$0x3FB7] =	sst s9;
	s0 =	simm.s32 @!p0 $0x0  }
0x12: {  	s1 =	sld [smem:$0x3F9D];
	s0 =	simm.s32 @p0 $0x1  }
0x13: {  	[smem:$0x3FB8] =	sst s0;
	s0 =	simm.s32 @!p1 $0x0  }
0x14: {  	s2 =	sld [smem:$0x3F9C];
	s0 =	simm.s32 @p1 $0x1  }
0x15: {  	[smem:$0x3FB9] =	sst s0;
	s0 =	simm.s32 @!p2 $0x0  }
0x16: {  	s3 =	sld [smem:$0x3FDB];
	s0 =	simm.s32 @p2 $0x1  }
0x17: {  	s4 =	simm.s32 $0x1BF5;
	[smem:$0x3FBB] =	sst s0  }
0x18: {  	s0 =	sld [smem:$0x3F9E];
	_ =	swait.ge [sflag:s4], $0x0  }
0x19: {  	s7 =	sld [smem:$0x3F9F]  }
0x1a: {  	s8 =	sadd.s32 $0xFFFFE003, lr  }
0x1b: {  	s9 =	sadd.s32 $0xFFFFFEF7, lr;
	s5 =	simm.s32 $0xFFFFFFFF;
	p2 =	slt.u32 s8, $0xFFFFF086  }
0x1c: {  	p1 =	slt.u32 s9, $0xF7A;
	s5 =	simm.s32 @!p2 $0x0  }
0x1d: {  	s5 =	simm.s32 @p1 $0x1;
	p0 =	seq.s32 s7, s2  }
0x1e: {  	s7 =	smul.u32 @!p0 $0xF7A, s2;
	p2 =	seq.s32 @!p0 s5, $0x0  }
0x1f: {  	s9 =	smul.u32 $0xF7A, s1;
	s8 =	simm.s32 @!p0 $0x1BF5;
	p2 =	por !p2, p0  }
0x20: {  	[sflag:s8] =	ssyncset.s32 @!p0 $0xFFFFF086;
	s6 =	sadd.s32 @!p0 s3, s7;
	s7 =	simm.s32 @!p0 $0x108  }
0x21: {  	s3 =	sadd.s32 s3, s9;
	s6 =	sadd.s32 @!p0 $0x88, s6;
	s7 =	simm.s32 @p2 $0x1082  }
0x22: {  	[simem:s7], [sflag:s8] =	dma.local @!p0 [hbm:s6], $0xF7A  }
0x23: {  	s9 =	sor.u32 $0xD0000000, s2;
	s6 =	simm.s32 $0x108;
	_ =	swait.ge @!p0 [sflag:s8], $0x0  }
0x24: {  	s3 =	sadd.s32 $0x88, s3;
	s6 =	simm.s32 @!p1 $0x1082;
	[sflag:s4] =	ssyncset.s32 $0xFFFFF086  }
0x25: {  	[simem:s6], [sflag:s4] =	dma.local [hbm:s3], $0xF7A  }
0x26: {  	[smem:$0x3F9F] =	sst s1;
	(tag) =	ssettag s2;
	_ =	strace s9  }
0x27: {  	s1 =	sld [smem:$0x3FAF]  }
0x28: {  	s2 =	sld [smem:$0x3FB0]  }
0x29: {  	s4 =	sld [smem:$0x3FB2]  }
0x2a: {  	p0 =	seq.s32 s5, $0x0;
	s5 =	sld [smem:$0x3FB3]  }
0x2b: {  	s6 =	sld [smem:$0x3FB4]  }
0x2c: {  	s7 =	sld [smem:$0x3FB5]  }
0x2d: {  	s3 =	simm.s32 $0x108;
	s8 =	sld [smem:$0x3FB6]  }
0x2e: {  	s3 =	simm.s32 @!p0 $0x1082;
	s9 =	sld [smem:$0x3FB7]  }
0x2f: {  	lr =	sadd.s32 s0, s3;
	s0 =	sld [smem:$0x3FAE]  }
0x30: {  	s3 =	sld [smem:$0x3FB1]  }
0x31: {  	[smem:$0x3FBA] =	sst s10  }
0x32: {  	s10 =	sld [smem:$0x3FB8];
	_ =	sdelay $0x3  }
0x33: {  	p0 =	seq.s32 s10, $0x1;
	s10 =	sld [smem:$0x3FBA];
	_ =	sdelay $0x3  }
0x34: {  	[smem:$0x3FBA] =	sst s10  }
0x35: {  	s10 =	sld [smem:$0x3FB9];
	_ =	sdelay $0x3  }
0x36: {  	p1 =	seq.s32 s10, $0x1;
	s10 =	sld [smem:$0x3FBA];
	_ =	sdelay $0x3  }
0x37: {  	[smem:$0x3FBA] =	sst s10  }
0x38: {  	s10 =	sld [smem:$0x3FBB]  }
0x39: {  	_ = 	snop;
	(pc) =	sbr.ind lr, $3  }
0x3a: {  	_ = 	snop  }
0x3b: {  	_ = 	snop  }
0x3c: {  	p2 =	seq.s32 s10, $0x1;
	s10 =	sld [smem:$0x3FBA]  }
0x3d: {  	_ =	shalt  }
0x3e: {  	_ =	shalt  }
0x3f: {  	_ =	shalt  }
0x40: {  	_ =	shalt  }
0x41: {  	_ =	shalt  }
0x42: {  	_ =	shalt  }
0x43: {  	_ =	shalt  }
0x44: {  	_ =	shalt  }
0x45: {  	_ =	shalt  }
0x46: {  	_ =	shalt  }
0x47: {  	_ =	shalt  }
0x48: {  	_ =	shalt  }
0x49: {  	_ =	shalt  }
0x4a: {  	_ =	shalt  }
0x4b: {  	_ =	shalt  }
0x4c: {  	_ =	shalt  }
0x4d: {  	_ =	shalt  }
0x4e: {  	_ =	shalt  }
0x4f: {  	_ =	shalt  }
0x50: {  	_ =	shalt  }
0x51: {  	_ =	shalt  }
0x52: {  	_ =	shalt  }
0x53: {  	_ =	shalt  }
0x54: {  	_ =	shalt  }
0x55: {  	_ =	shalt  }
0x56: {  	_ =	shalt  }
0x57: {  	_ =	shalt  }
0x58: {  	_ =	shalt  }
0x59: {  	_ =	shalt  }
0x5a: {  	_ =	shalt  }
0x5b: {  	_ =	shalt  }
0x5c: {  	_ =	shalt  }
0x5d: {  	_ =	shalt  }
0x5e: {  	_ =	shalt  }
0x5f: {  	_ =	shalt  }
0x60: {  	_ =	shalt  }
0x61: {  	_ =	shalt  }
0x62: {  	_ =	shalt  }
0x63: {  	_ =	shalt  }
0x64: {  	_ =	shalt  }
0x65: {  	_ =	shalt  }
0x66: {  	_ =	shalt  }
0x67: {  	_ =	shalt  }
0x68: {  	_ =	shalt  }
0x69: {  	_ =	shalt  }
0x6a: {  	_ =	shalt  }
0x6b: {  	_ =	shalt  }
0x6c: {  	_ =	shalt  }
0x6d: {  	_ =	shalt  }
0x6e: {  	_ =	shalt  }
0x6f: {  	_ =	shalt  }
0x70: {  	_ =	shalt  }
0x71: {  	_ =	shalt  }
0x72: {  	_ =	shalt  }
0x73: {  	_ =	shalt  }
0x74: {  	_ =	shalt  }
0x75: {  	_ =	shalt  }
0x76: {  	_ =	shalt  }
0x77: {  	_ =	shalt  }
0x78: {  	_ =	shalt  }
0x79: {  	_ =	shalt  }
0x7a: {  	_ =	shalt  }
0x7b: {  	_ =	shalt  }
0x7c: {  	_ =	shalt  }
0x7d: {  	_ =	shalt  }
0x7e: {  	_ =	shalt  }
0x7f: {  	_ =	shalt  }
0x80: {  	_ =	shalt  }
0x81: {  	_ =	shalt  }
0x82: {  	_ =	shalt  }
0x83: {  	_ =	shalt  }
0x84: {  	_ =	shalt  }
0x85: {  	_ =	shalt  }
0x86: {  	_ =	shalt  }
0x87: {  	_ =	shalt  }
.Lfunc_end0:
.L_simem_size_0:
called_computation_lowered:
.L_overlay_start_0:
0x88: {  	s2 =	sld [smem:$0x3FD9]  }
0x89: {  	s3 =	sld [smem:$0x3FFE];
	_ =	sdelay $0x1  }
0x8a: {  	s1 =	srdreg.scid  }
0x8b: {  	s0 =	sand.u32 $0x1, s1  }
0x8c: {  	s18 =	sshll.u32 s0, $0xA;
	s2 =	sadd.s32 s3, s2  }
0x8d: {  	s2 =	sadd.s32 s2, s18  }
0x8e: {  	[smem:$0x3FC6] =	sst s2  }
0x8f: {  	_ = 	snop  }
0x90: {  	s2 =	sld [smem:$0x3FC9]  }
0x91: {  	s19 =	sld [smem:$0x3FC8]  }
0x92: {  	s4 =	sld [smem:$0x3FD0];
	(tm) =	ssettm $0x1  }
0x93: {  	s5 =	sld [smem:$0x3FFB];
	_ =	sdelay $0x3  }
0x94: {  	_ =	strace s5  }
0x95: {  	s5 =	sld [smem:$0x3FFC];
	_ =	sdelay $0x3  }
0x96: {  	_ =	strace s5  }
0x97: {  	s5 =	sld [smem:$0x3FFD];
	_ =	sdelay $0x3  }
0x98: {  	_ =	strace s5  }
0x99: {  	_ =	strace $0x8FFFFFFF  }
0x9a: {  	s20 =	sld [smem:$0x3FDB];
	_ =	sdelay $0x1  }
0x9b: {  	s6 =	simm.s32 $_scs_section_size  }
0x9c: {  	s7 =	simm.s32 $_size__tile_overlayer_lowered;
	s8 =	simm.s32 $_tile_overlayer_lowered  }
0x9d: {  	s23 =	simm.s32 $0x1BFF;
	s22 =	sshll.u32 s8, $0x1;
	s5 =	sadd.s32 s6, s20  }
0x9e: {  	s9 =	simm.s32 $0x0;
	s21 =	sshll.u32 s7, $0x1;
	s7 =	sadd.s32 s22, s5  }
0x9f: {  	[timem:s9], [sflag:s23] =	dma.local [hbm:s7], s21  }
0xa0: {  	_ =	swait.ge [sflag:s23], s21  }
0xa1: {  	s6 =	ssub.s32 $0x0, s21;
	[sflag:s23] =	ssyncset.done $0x0  }
0xa2: {  	[sflag:s23] =	ssyncadd.s32 s6;
	_ =	sdelay $0x1  }
0xa3: {  	s24 =	simm.s32 $0x1B8B  }
0xa4: {  	_ =	swait.ge [sflag:s24], $0x1  }
0xa5: {  	[sflag:s24] =	ssyncset.done $0x0  }
0xa6: {  	s25 =	simm.s32 $0x1B8E;
	[sflag:s24] =	ssyncadd.s32 $0xFFFFFFFF  }
0xa7: {  	s26 =	simm.s32 $execute0_lowered;
	[smem:$0x3FD2] =	sst s25  }
0xa8: {  	s6 =	sshll.u32 s26, $0x1;
	_ =	strace $0x80000046;
	[dreg:$0x1] =	wrdreg $0xFFFFFFFF  }
0xa9: {  	s28 =	simm.s32 $_size_execute0_lowered;
	s5 =	sadd.s32 s5, s6;
	[dreg:$0x0] =	wrdreg $0x0  }
0xaa: {  	s6 =	sshll.u32 s28, $0x1;
	[dreg:$0x2] =	wrdreg s5  }
0xab: {  	[dreg:$0x3] =	wrdreg s6  }
0xac: {  	[dreg:$0x4] =	wrdreg $0xC0  }
0xad: {  	_ =	task [dreg:s9], $0x5FFFF  }
0xae: {  	[dreg:$0x1] =	wrdreg $0xFFFFFFFF  }
0xaf: {  	[dreg:$0x0] =	wrdreg $0x60  }
0xb0: {  	[dreg:$0x2] =	wrdreg s2  }
0xb1: {  	[dreg:$0x3] =	wrdreg s19  }
0xb2: {  	[dreg:$0x4] =	wrdreg s4  }
0xb3: {  	[dreg:$0x5] =	wrdreg $0x9  }
0xb4: {  	_ =	task.clear_ibuf [dreg:s9], $0x6FFFF;
	_ =	strace $0x90000046  }
0xb5: {  	s29 =	simm.s32 $0x9;
	_ =	strace $0x80000048  }
0xb6: {  	_ =	swait.ge [sflag:s29], $0x1  }
0xb7: {  	[sflag:s29] =	ssyncadd.s32 $0xFFFFFFFF  }
0xb8: {  	_ =	strace $0x90000048  }
0xb9: {  	_ =	sfence  }
0xba: {  	s30 =	sld [smem:$0x0];
	_ =	sdelay $0x2  }
0xbb: {  	s31 =	sshll.u32 s1, $0xD;
	s1 =	sshrl.u32 s1, $0x2  }
0xbc: {  	s3 =	sand.u32 $0x4000, s31;
	s1 =	sadd.s32 s1, s30  }
0xbd: {  	s0 =	sor.u32 s3, s0;
	s1 =	sshll.u32 s1, $0x11  }
0xbe: {  	s0 =	sor.u32 s1, s0  }
0xbf: {  	s0 =	sadd.s32 $0x8F2B, s0  }
0xc0: {  	[sflag:s0] =	ssyncadd.remote.s32 $0x1  }
0xc1: {  	_ =	sfence.sel $0xFFFF  }
0xc2: {  	[dreg:$0x0] =	wrdreg $0xFFFFFFFF;
	(pc) =	sbr.abs _section_cstart, $3  }
0xc3: {  	[dreg:$0x1] =	wrdreg $0xFFFFFFFF  }
0xc4: {  	_ =	task.clear_ibuf [dreg:s9], $0x2FFFF;
	_ =	strace $0x9FFFFFFF  }
0xc5: {  	(tm) =	ssettm $0x7FFFFFFF  }
tec
execute0_lowered:
.L_overlay_start_1:
0x0: {  	(tag) =	ssettag $0x1  }
0x1: {  	s9 =	rddreg [dreg:$0x0]  }
0x2: {  	s0 =	srdreg.scid;
	s1 =	rddreg [dreg:$0x1]  }
0x3: {  	s2 =	stileid.u32;
	s3 =	rddreg [dreg:$0x2]  }
0x4: {  	s14 =	simm.s32 $0x2080;
	s15 =	simm.s32 $0x8080;
	s16 =	simm.s32 $0xE080  }
0x5: {  	s17 =	simm.s32 $0x14080;
	s28 =	simm.s32 $0x3080;
	s29 =	simm.s32 $0x3880  }
0x6: {  	s30 =	simm.s32 $0x4080;
	s31 =	simm.s32 $0x4880;
	s12 =	simm.s32 $0x7880  }
0x7: {  	s13 =	simm.s32 $0x8880;
	s18 =	simm.s32 $0x9880;
	s0 =	sand.u32 $0x1, s0  }
0x8: {  	s2 =	sshll.u32 s2, $0x6;
	s10 =	sadd.s32 $0x100, s3;
	s4 =	sshll.u32 s0, $0x5  }
0x9: {  	s11 =	sadd.s32 $0x200, s3;
	s0 =	ssub.s32 $0x2, s0;
	s2 =	sor.u32 s4, s2  }
0xa: {  	s4 =	simm.s32 $0x0;
	s7 =	sshrl.u32 s0, $0x1;
	s5 =	sshrl.u32 s2, $0x3  }
0xb: {  	[smem:$0x7FF] =	sst s4;
	s0 =	ssub.s32 s0, s7;
	s21 =	sor.u32 $0x1400, s2  }
0xc: {  	s22 =	sor.u32 $0x1800, s2;
	s8 =	sor.u32 $0x1C00, s2;
	s26 =	sor.u32 $0x1000, s2  }
0xd: {  	s2 =	simm.s32 $0x2;
	s6 =	smul.u32 $0x300, s5;
	_ =	strace $0x80000047  }
0xe: {  	s1 =	sadd.s32 s1, s5;
	s24 =	sshrl.u32 s8, $0x3;
	[dreg:$0xd] =	wrdreg s26  }
0xf: {  	s0 =	smax.u32 s0, $0x1;
	s8 =	simm.s32 $0x6880;
	[dreg:$0xb] =	wrdreg s1  }
0x10: {  	s5 =	smul.u32 $0x300, s24;
	[dreg:$0xc] =	wrdreg s0;
	s19 =	sadd.s32 s9, s6  }
0x11: {  	s0 =	simm.s32 $0x0;
	s6 =	sadd.s32 $0x18000, s19;
	[dreg:$0x7] =	wrdreg s19  }
0x12: {  	s20 =	sadd.s32 $0x30000, s19;
	s7 =	sadd.s32 $0x48000, s19;
	[dreg:$0x8] =	wrdreg s6  }
0x13: {  	s25 =	sadd.s32 s5, s9;
	s19 =	simm.s32 $0x1;
	[dreg:$0x9] =	wrdreg s20  }
0x14: {  	s5 =	simm.s32 $0x9080;
	[dreg:$0xa] =	wrdreg s7;
	s6 =	sshrl.u32 s21, $0x3  }
0x15: {  	s7 =	sshrl.u32 s22, $0x3;
	[dreg:$0x6] =	wrdreg s25;
	s6 =	smul.u32 $0x300, s6  }
0x16: {  	s25 =	simm.s32 $0x2880;
	s20 =	simm.s32 $0xA880;
	s23 =	smul.u32 $0x300, s7  }
0x17: {  	v2 =	vlaneseq.u32;
	s21 =	simm.s32 $0xB080;
	s7 =	simm.s32 $0x6080;
	s6 =	sadd.s32 s6, s9  }
0x18: {  	vm0 =	vmmov $0xffff;
	v1 =	vshrl.u32 v2, $0x3;
	s1 =	sadd.s32 s23, s9;
	s9 =	simm.s32 $0x7080;
	[dreg:$0x4] =	wrdreg s6  }
0x19: {  	v0 =	vand.u32 $0x7, v2;
	v2 =	vor.u32 $0x8, v2;
	v1 =	vmul.u32 $0x8, v1;
	[dreg:$0x5] =	wrdreg s1;
	s6 =	simm.s32 $0x5880;
	s1 =	simm.s32 $0xA080  }
.LBB2_1:
0x1a: {  	[dreg:$0xe] =	wrdreg s0  }
0x1b: {  	s22 =	rddreg [dreg:$0x7]  }
0x1c: {  	[tilespmem:s14], [sflag:$0x1] =	stream.linear.gather [hbm4b:s22+s4], $0x6000, $0x38;
	[tilespmem:$0x1A080] =	vst v63  }
0x1d: {  	s26 =	rddreg [dreg:$0x8]  }
0x1e: {  	[tilespmem:s15], [sflag:$0x1] =	stream.linear.gather [hbm4b:s26+s4], $0x6000, $0x38;
	[tilespmem:$0x1A080] =	vst v63  }
0x1f: {  	s0 =	rddreg [dreg:$0x9]  }
0x20: {  	[tilespmem:s16], [sflag:$0x1] =	stream.linear.gather [hbm4b:s0+s4], $0x6000, $0x38;
	[tilespmem:$0x1A080] =	vst v63  }
0x21: {  	s23 =	rddreg [dreg:$0xa]  }
0x22: {  	[tilespmem:s17], [sflag:$0x1] =	stream.linear.gather [hbm4b:s23+s4], $0x6000, $0x38;
	[tilespmem:$0x1A080] =	vst v63  }
0x23: {  	s24 =	rddreg [dreg:$0xb];
	s26 =	simm.s32 $0x3  }
0x24: {  	[tilespmem:s4], [sflag:$0x3] =	stream.linear.gather [hbm4b:s24+s4], $0x20, $0x38;
	[tilespmem:$0x1A080] =	vst v63  }
0x25: {  	_ =	swait.ge [sflag:s26], $0x20  }
0x26: {  	[sflag:s26] =	ssyncset.done $0x0  }
0x27: {  	[sflag:s26] =	ssyncadd.s32 $0xFFFFFFE0  }
0x28: {  	v3 =	vld [tilespmem:$0x0];
	_ =	sdelay $0x4  }
0x29: {  	s22 =	simm.s32 $0x90;
	v3 =	vadd.s32 s4, v3  }
0x2a: {  	[tilespmem:s22+$0xFFFFFFF0] =	vst v3  }
0x2b: {  	v3 =	vld [tilespmem:$0x10];
	_ =	sdelay $0x4  }
0x2c: {  	v3 =	vadd.s32 s4, v3  }
0x2d: {  	[tilespmem:s22+$0x0] =	vst v3  }
0x2e: {  	s23 =	simm.s32 $0x400;
	s24 =	simm.s32 $0x800;
	v3 =	vld [tilespmem:$0x0]  }
.LBB2_2:
0x2f: {  	p0 =	sne.s32 s24, $0xFC00;
	_ =	sdelay $0x3  }
0x30: {  	s22 =	sadd.s32 $0x80, s22;
	v3 =	vadd.s32 s23, v3  }
0x31: {  	[tilespmem:s22+$0xFFFFFFF0] =	vst v3  }
0x32: {  	v3 =	vld [tilespmem:$0x10];
	_ =	sdelay $0x2  }
.Ltmp0:
0x33: {  	(pc) =	sbr.rel @p0 .LBB2_2-.Ltmp0, $4  }
0x34: {  	_ = 	snop  }
0x35: {  	v3 =	vadd.s32 s23, v3;
	s23 =	smov.u32 s24  }
0x36: {  	[tilespmem:s22+$0x0] =	vst v3  }
0x37: {  	s24 =	sadd.s32 $0x400, s24;
	v3 =	vld [tilespmem:$0x0]  }
0x38: {  	_ =	sdelay $0x3  }
0x39: {  	s22 =	sadd.s32 $0x80, s22;
	v3 =	vadd.s32 s23, v3  }
0x3a: {  	[tilespmem:s22+$0xFFFFFFF0] =	vst v3  }
0x3b: {  	v3 =	vld [tilespmem:$0x10];
	_ =	sdelay $0x3  }
0x3c: {  	s24 =	rddreg [dreg:$0xd]  }
0x3d: {  	s26 =	rddreg [dreg:$0x0];
	v3 =	vadd.s32 s23, v3  }
0x3e: {  	s0 =	simm.s32 $0x5080;
	s23 =	simm.s32 $0x180;
	[tilespmem:s22+$0x0] =	vst v3;
	s22 =	simm.s32 $0x0  }
.LBB2_4:
0x3f: {  	_ =	swait.ge [sflag:s19], $0x6000  }
0x40: {  	[sflag:s19] =	ssyncset.done $0x0  }
0x41: {  	[sflag:s19] =	ssyncadd.s32 $0xFFFFA000  }
0x42: {  	v3 =	vld [tilespmem:s23+$0xFFFFFF00];
	_ =	sdelay $0x4  }
0x43: {  	v4 =	vshrl.u32 v3, $0x3  }
0x44: {  	v4 =	vmul.u32 $0x30, v4  }
0x45: {  	v3 =	vand.u32 $0x7, v3  }
0x46: {  	v3 =	vor.u32 v3, v4  }
0x47: {  	v4 =	vperm.xlane v3, v0;
	_ =	sdelay $0x1  }
0x48: {  	v4 =	vadd.s32 v1, v4;
	_ =	sdelay $0x3  }
0x49: {  	v3 =	vperm.xlane v3, v2  }
0x4a: {  	[hbm4b:s3+s4] =	stream.indirect_vreg.scatter [tilespmem:s14], [sflag:$0x2], $0x80, v4, vm0, $0xb8;
	[tilespmem:$0x1A080] =	vst v63  }
0x4b: {  	v3 =	vadd.s32 v1, v3  }
0x4c: {  	[hbm4b:s10+s4] =	stream.indirect_vreg.scatter [tilespmem:s25], [sflag:$0x2], $0x80, v4, vm0, $0xb8;
	[tilespmem:$0x1A080] =	vst v63  }
0x4d: {  	_ = 	snop  }
0x4e: {  	[hbm4b:s11+s4] =	stream.indirect_vreg.scatter [tilespmem:s28], [sflag:$0x2], $0x80, v4, vm0, $0xb8;
	[tilespmem:$0x1A080] =	vst v63  }
0x4f: {  	_ = 	snop  }
0x50: {  	[hbm4b:s3+s4] =	stream.indirect_vreg.scatter [tilespmem:s29], [sflag:$0x2], $0x80, v3, vm0, $0xb8;
	[tilespmem:$0x1A080] =	vst v63  }
0x51: {  	_ = 	snop  }
0x52: {  	[hbm4b:s10+s4] =	stream.indirect_vreg.scatter [tilespmem:s30], [sflag:$0x2], $0x80, v3, vm0, $0xb8;
	[tilespmem:$0x1A080] =	vst v63  }
0x53: {  	_ = 	snop  }
0x54: {  	[hbm4b:s11+s4] =	stream.indirect_vreg.scatter [tilespmem:s31], [sflag:$0x2], $0x80, v3, vm0, $0xb8;
	[tilespmem:$0x1A080] =	vst v63  }
0x55: {  	v3 =	vld [tilespmem:s23+$0xFFFFFF10];
	_ =	sdelay $0x4  }
0x56: {  	v57 =	vshrl.u32 v3, $0x3  }
0x57: {  	v4 =	vmul.u32 $0x30, v57  }
0x58: {  	v3 =	vand.u32 $0x7, v3  }
0x59: {  	v3 =	vor.u32 v3, v4  }
0x5a: {  	v4 =	vperm.xlane v3, v0;
	_ =	sdelay $0x1  }
0x5b: {  	v4 =	vadd.s32 v1, v4;
	_ =	sdelay $0x3  }
0x5c: {  	v3 =	vperm.xlane v3, v2  }
0x5d: {  	[hbm4b:s3+s4] =	stream.indirect_vreg.scatter [tilespmem:s0], [sflag:$0x2], $0x80, v4, vm0, $0xb8;
	[tilespmem:$0x1A080] =	vst v63  }
0x5e: {  	v3 =	vadd.s32 v1, v3  }
0x5f: {  	[hbm4b:s10+s4] =	stream.indirect_vreg.scatter [tilespmem:s6], [sflag:$0x2], $0x80, v4, vm0, $0xb8;
	[tilespmem:$0x1A080] =	vst v63  }
0x60: {  	_ = 	snop  }
0x61: {  	[hbm4b:s11+s4] =	stream.indirect_vreg.scatter [tilespmem:s7], [sflag:$0x2], $0x80, v4, vm0, $0xb8;
	[tilespmem:$0x1A080] =	vst v63  }
0x62: {  	_ = 	snop  }
0x63: {  	[hbm4b:s3+s4] =	stream.indirect_vreg.scatter [tilespmem:s8], [sflag:$0x2], $0x80, v3, vm0, $0xb8;
	[tilespmem:$0x1A080] =	vst v63  }
0x64: {  	_ = 	snop  }
0x65: {  	[hbm4b:s10+s4] =	stream.indirect_vreg.scatter [tilespmem:s9], [sflag:$0x2], $0x80, v3, vm0, $0xb8;
	[tilespmem:$0x1A080] =	vst v63  }
0x66: {  	s25 =	sshrl.u32 s24, $0x3  }
0x67: {  	[hbm4b:s11+s4] =	stream.indirect_vreg.scatter [tilespmem:s12], [sflag:$0x2], $0x80, v3, vm0, $0xb8;
	[tilespmem:$0x1A080] =	vst v63  }
0x68: {  	s25 =	smul.u32 $0x300, s25;
	_ =	swait.ge [sflag:s2], $0x6000  }
0x69: {  	[sflag:s2] =	ssyncset.done $0x0  }
0x6a: {  	s25 =	sadd.s32 s26, s25;
	[sflag:s2] =	ssyncadd.s32 $0xFFFFA000  }
0x6b: {  	[tilespmem:s14], [sflag:$0x1] =	stream.linear.gather [hbm4b:s25+s4], $0x6000, $0x38;
	[tilespmem:$0x1A080] =	vst v63  }
0x6c: {  	_ =	swait.ge [sflag:s19], $0x6000  }
0x6d: {  	[sflag:s19] =	ssyncset.done $0x0  }
0x6e: {  	[sflag:s19] =	ssyncadd.s32 $0xFFFFA000  }
0x6f: {  	v3 =	vld [tilespmem:s23+$0xFFFFFF80];
	_ =	sdelay $0x4  }
0x70: {  	v58 =	vshrl.u32 v3, $0x3  }
0x71: {  	v4 =	vmul.u32 $0x30, v58  }
0x72: {  	v3 =	vand.u32 $0x7, v3  }
0x73: {  	v3 =	vor.u32 v3, v4  }
0x74: {  	v4 =	vperm.xlane v3, v0;
	_ =	sdelay $0x1  }
0x75: {  	v4 =	vadd.s32 v1, v4;
	_ =	sdelay $0x3  }
0x76: {  	v3 =	vperm.xlane v3, v2  }
0x77: {  	[hbm4b:s3+s4] =	stream.indirect_vreg.scatter [tilespmem:s15], [sflag:$0x2], $0x80, v4, vm0, $0xb8;
	[tilespmem:$0x1A080] =	vst v63  }
0x78: {  	v3 =	vadd.s32 v1, v3  }
0x79: {  	[hbm4b:s10+s4] =	stream.indirect_vreg.scatter [tilespmem:s13], [sflag:$0x2], $0x80, v4, vm0, $0xb8;
	[tilespmem:$0x1A080] =	vst v63  }
0x7a: {  	_ = 	snop  }
0x7b: {  	[hbm4b:s11+s4] =	stream.indirect_vreg.scatter [tilespmem:s5], [sflag:$0x2], $0x80, v4, vm0, $0xb8;
	[tilespmem:$0x1A080] =	vst v63  }
0x7c: {  	_ = 	snop  }
0x7d: {  	[hbm4b:s3+s4] =	stream.indirect_vreg.scatter [tilespmem:s18], [sflag:$0x2], $0x80, v3, vm0, $0xb8;
	[tilespmem:$0x1A080] =	vst v63  }
0x7e: {  	_ = 	snop  }
0x7f: {  	[hbm4b:s10+s4] =	stream.indirect_vreg.scatter [tilespmem:s1], [sflag:$0x2], $0x80, v3, vm0, $0xb8;
	[tilespmem:$0x1A080] =	vst v63  }
0x80: {  	_ = 	snop  }
0x81: {  	[hbm4b:s11+s4] =	stream.indirect_vreg.scatter [tilespmem:s20], [sflag:$0x2], $0x80, v3, vm0, $0xb8;
	[tilespmem:$0x1A080] =	vst v63  }
0x82: {  	v3 =	vld [tilespmem:s23+$0xFFFFFF90];
	_ =	sdelay $0x4  }
0x83: {  	v59 =	vshrl.u32 v3, $0x3  }
0x84: {  	v4 =	vmul.u32 $0x30, v59  }
0x85: {  	v3 =	vand.u32 $0x7, v3  }
0x86: {  	v3 =	vor.u32 v3, v4  }
0x87: {  	v4 =	vperm.xlane v3, v0;
	_ =	sdelay $0x1  }
0x88: {  	v4 =	vadd.s32 v1, v4;
	_ =	sdelay $0x3  }
0x89: {  	v3 =	vperm.xlane v3, v2  }
0x8a: {  	[hbm4b:s3+s4] =	stream.indirect_vreg.scatter [tilespmem:s21], [sflag:$0x2], $0x80, v4, vm0, $0xb8;
	[tilespmem:$0x1A080] =	vst v63  }
0x8b: {  	s25 =	simm.s32 $0xB880;
	v3 =	vadd.s32 v1, v3  }
0x8c: {  	[hbm4b:s10+s4] =	stream.indirect_vreg.scatter [tilespmem:s25], [sflag:$0x2], $0x80, v4, vm0, $0xb8;
	[tilespmem:$0x1A080] =	vst v63  }
0x8d: {  	s25 =	simm.s32 $0xC080  }
0x8e: {  	[hbm4b:s11+s4] =	stream.indirect_vreg.scatter [tilespmem:s25], [sflag:$0x2], $0x80, v4, vm0, $0xb8;
	[tilespmem:$0x1A080] =	vst v63  }
0x8f: {  	s25 =	simm.s32 $0xC880  }
0x90: {  	[hbm4b:s3+s4] =	stream.indirect_vreg.scatter [tilespmem:s25], [sflag:$0x2], $0x80, v3, vm0, $0xb8;
	[tilespmem:$0x1A080] =	vst v63  }
0x91: {  	s25 =	simm.s32 $0xD080  }
0x92: {  	[hbm4b:s10+s4] =	stream.indirect_vreg.scatter [tilespmem:s25], [sflag:$0x2], $0x80, v3, vm0, $0xb8;
	[tilespmem:$0x1A080] =	vst v63  }
0x93: {  	s25 =	simm.s32 $0xD880  }
0x94: {  	[hbm4b:s11+s4] =	stream.indirect_vreg.scatter [tilespmem:s25], [sflag:$0x2], $0x80, v3, vm0, $0xb8;
	[tilespmem:$0x1A080] =	vst v63  }
0x95: {  	_ =	swait.ge [sflag:s2], $0x6000  }
0x96: {  	s25 =	rddreg [dreg:$0x4];
	[sflag:s2] =	ssyncset.done $0x0  }
0x97: {  	[sflag:s2] =	ssyncadd.s32 $0xFFFFA000;
	s25 =	sadd.s32 s22, s25  }
0x98: {  	[tilespmem:s15], [sflag:$0x1] =	stream.linear.gather [hbm4b:s25+s4], $0x6000, $0x38;
	[tilespmem:$0x1A080] =	vst v63  }
0x99: {  	_ =	swait.ge [sflag:s19], $0x6000  }
0x9a: {  	[sflag:s19] =	ssyncset.done $0x0  }
0x9b: {  	[sflag:s19] =	ssyncadd.s32 $0xFFFFA000  }
0x9c: {  	v3 =	vld [tilespmem:s23+$0x0];
	_ =	sdelay $0x4  }
0x9d: {  	v60 =	vshrl.u32 v3, $0x3  }
0x9e: {  	v4 =	vmul.u32 $0x30, v60  }
0x9f: {  	v3 =	vand.u32 $0x7, v3  }
0xa0: {  	v3 =	vor.u32 v3, v4  }
0xa1: {  	v4 =	vperm.xlane v3, v0;
	_ =	sdelay $0x1  }
0xa2: {  	v4 =	vadd.s32 v1, v4;
	_ =	sdelay $0x3  }
0xa3: {  	v3 =	vperm.xlane v3, v2  }
0xa4: {  	[hbm4b:s3+s4] =	stream.indirect_vreg.scatter [tilespmem:s16], [sflag:$0x2], $0x80, v4, vm0, $0xb8;
	[tilespmem:$0x1A080] =	vst v63  }
0xa5: {  	s25 =	simm.s32 $0xE880;
	v3 =	vadd.s32 v1, v3  }
0xa6: {  	[hbm4b:s10+s4] =	stream.indirect_vreg.scatter [tilespmem:s25], [sflag:$0x2], $0x80, v4, vm0, $0xb8;
	[tilespmem:$0x1A080] =	vst v63  }
0xa7: {  	s25 =	simm.s32 $0xF080  }
0xa8: {  	[hbm4b:s11+s4] =	stream.indirect_vreg.scatter [tilespmem:s25], [sflag:$0x2], $0x80, v4, vm0, $0xb8;
	[tilespmem:$0x1A080] =	vst v63  }
0xa9: {  	s25 =	simm.s32 $0xF880  }
0xaa: {  	[hbm4b:s3+s4] =	stream.indirect_vreg.scatter [tilespmem:s25], [sflag:$0x2], $0x80, v3, vm0, $0xb8;
	[tilespmem:$0x1A080] =	vst v63  }
0xab: {  	s25 =	simm.s32 $0x10080  }
0xac: {  	[hbm4b:s10+s4] =	stream.indirect_vreg.scatter [tilespmem:s25], [sflag:$0x2], $0x80, v3, vm0, $0xb8;
	[tilespmem:$0x1A080] =	vst v63  }
0xad: {  	s25 =	simm.s32 $0x10880  }
0xae: {  	[hbm4b:s11+s4] =	stream.indirect_vreg.scatter [tilespmem:s25], [sflag:$0x2], $0x80, v3, vm0, $0xb8;
	[tilespmem:$0x1A080] =	vst v63  }
0xaf: {  	v3 =	vld [tilespmem:s23+$0x10];
	_ =	sdelay $0x4  }
0xb0: {  	v61 =	vshrl.u32 v3, $0x3  }
0xb1: {  	v4 =	vmul.u32 $0x30, v61  }
0xb2: {  	v3 =	vand.u32 $0x7, v3  }
0xb3: {  	v3 =	vor.u32 v3, v4  }
0xb4: {  	v4 =	vperm.xlane v3, v0;
	_ =	sdelay $0x1  }
0xb5: {  	v4 =	vadd.s32 v1, v4;
	_ =	sdelay $0x3  }
0xb6: {  	s25 =	simm.s32 $0x11080;
	v3 =	vperm.xlane v3, v2  }
0xb7: {  	[hbm4b:s3+s4] =	stream.indirect_vreg.scatter [tilespmem:s25], [sflag:$0x2], $0x80, v4, vm0, $0xb8;
	[tilespmem:$0x1A080] =	vst v63  }
0xb8: {  	v3 =	vadd.s32 v1, v3;
	s25 =	simm.s32 $0x11880  }
0xb9: {  	[hbm4b:s10+s4] =	stream.indirect_vreg.scatter [tilespmem:s25], [sflag:$0x2], $0x80, v4, vm0, $0xb8;
	[tilespmem:$0x1A080] =	vst v63  }
0xba: {  	s25 =	simm.s32 $0x12080  }
0xbb: {  	[hbm4b:s11+s4] =	stream.indirect_vreg.scatter [tilespmem:s25], [sflag:$0x2], $0x80, v4, vm0, $0xb8;
	[tilespmem:$0x1A080] =	vst v63  }
0xbc: {  	s25 =	simm.s32 $0x12880  }
0xbd: {  	[hbm4b:s3+s4] =	stream.indirect_vreg.scatter [tilespmem:s25], [sflag:$0x2], $0x80, v3, vm0, $0xb8;
	[tilespmem:$0x1A080] =	vst v63  }
0xbe: {  	s25 =	simm.s32 $0x13080  }
0xbf: {  	[hbm4b:s10+s4] =	stream.indirect_vreg.scatter [tilespmem:s25], [sflag:$0x2], $0x80, v3, vm0, $0xb8;
	[tilespmem:$0x1A080] =	vst v63  }
0xc0: {  	s25 =	simm.s32 $0x13880  }
0xc1: {  	[hbm4b:s11+s4] =	stream.indirect_vreg.scatter [tilespmem:s25], [sflag:$0x2], $0x80, v3, vm0, $0xb8;
	[tilespmem:$0x1A080] =	vst v63  }
0xc2: {  	_ =	swait.ge [sflag:s2], $0x6000  }
0xc3: {  	s25 =	rddreg [dreg:$0x5];
	[sflag:s2] =	ssyncset.done $0x0  }
0xc4: {  	[sflag:s2] =	ssyncadd.s32 $0xFFFFA000;
	s25 =	sadd.s32 s22, s25  }
0xc5: {  	[tilespmem:s16], [sflag:$0x1] =	stream.linear.gather [hbm4b:s25+s4], $0x6000, $0x38;
	[tilespmem:$0x1A080] =	vst v63  }
0xc6: {  	_ =	swait.ge [sflag:s19], $0x6000  }
0xc7: {  	[sflag:s19] =	ssyncset.done $0x0  }
0xc8: {  	[sflag:s19] =	ssyncadd.s32 $0xFFFFA000  }
0xc9: {  	v3 =	vld [tilespmem:s23+$0x80];
	_ =	sdelay $0x4  }
0xca: {  	v62 =	vshrl.u32 v3, $0x3  }
0xcb: {  	v4 =	vmul.u32 $0x30, v62  }
0xcc: {  	v3 =	vand.u32 $0x7, v3  }
0xcd: {  	v3 =	vor.u32 v3, v4  }
0xce: {  	v4 =	vperm.xlane v3, v0;
	_ =	sdelay $0x1  }
0xcf: {  	v4 =	vadd.s32 v1, v4;
	_ =	sdelay $0x3  }
0xd0: {  	v3 =	vperm.xlane v3, v2  }
0xd1: {  	[hbm4b:s3+s4] =	stream.indirect_vreg.scatter [tilespmem:s17], [sflag:$0x2], $0x80, v4, vm0, $0xb8;
	[tilespmem:$0x1A080] =	vst v63  }
0xd2: {  	s25 =	simm.s32 $0x14880;
	v3 =	vadd.s32 v1, v3  }
0xd3: {  	[hbm4b:s10+s4] =	stream.indirect_vreg.scatter [tilespmem:s25], [sflag:$0x2], $0x80, v4, vm0, $0xb8;
	[tilespmem:$0x1A080] =	vst v63  }
0xd4: {  	s25 =	simm.s32 $0x15080  }
0xd5: {  	[hbm4b:s11+s4] =	stream.indirect_vreg.scatter [tilespmem:s25], [sflag:$0x2], $0x80, v4, vm0, $0xb8;
	[tilespmem:$0x1A080] =	vst v63  }
0xd6: {  	s25 =	simm.s32 $0x15880  }
0xd7: {  	[hbm4b:s3+s4] =	stream.indirect_vreg.scatter [tilespmem:s25], [sflag:$0x2], $0x80, v3, vm0, $0xb8;
	[tilespmem:$0x1A080] =	vst v63  }
0xd8: {  	s25 =	simm.s32 $0x16080  }
0xd9: {  	[hbm4b:s10+s4] =	stream.indirect_vreg.scatter [tilespmem:s25], [sflag:$0x2], $0x80, v3, vm0, $0xb8;
	[tilespmem:$0x1A080] =	vst v63  }
0xda: {  	s25 =	simm.s32 $0x16880  }
0xdb: {  	[hbm4b:s11+s4] =	stream.indirect_vreg.scatter [tilespmem:s25], [sflag:$0x2], $0x80, v3, vm0, $0xb8;
	[tilespmem:$0x1A080] =	vst v63  }
0xdc: {  	v3 =	vld [tilespmem:s23+$0x90];
	_ =	sdelay $0x4  }
0xdd: {  	v63 =	vshrl.u32 v3, $0x3  }
0xde: {  	v4 =	vmul.u32 $0x30, v63  }
0xdf: {  	v3 =	vand.u32 $0x7, v3  }
0xe0: {  	v3 =	vor.u32 v3, v4  }
0xe1: {  	v4 =	vperm.xlane v3, v0;
	_ =	sdelay $0x1  }
0xe2: {  	v4 =	vadd.s32 v1, v4;
	_ =	sdelay $0x3  }
0xe3: {  	s25 =	simm.s32 $0x17080;
	v3 =	vperm.xlane v3, v2  }
0xe4: {  	[hbm4b:s3+s4] =	stream.indirect_vreg.scatter [tilespmem:s25], [sflag:$0x2], $0x80, v4, vm0, $0xb8;
	[tilespmem:$0x1A080] =	vst v63  }
0xe5: {  	v3 =	vadd.s32 v1, v3;
	s25 =	simm.s32 $0x17880  }
0xe6: {  	[hbm4b:s10+s4] =	stream.indirect_vreg.scatter [tilespmem:s25], [sflag:$0x2], $0x80, v4, vm0, $0xb8;
	[tilespmem:$0x1A080] =	vst v63  }
0xe7: {  	s25 =	simm.s32 $0x18080  }
0xe8: {  	[hbm4b:s11+s4] =	stream.indirect_vreg.scatter [tilespmem:s25], [sflag:$0x2], $0x80, v4, vm0, $0xb8;
	[tilespmem:$0x1A080] =	vst v63  }
0xe9: {  	s25 =	simm.s32 $0x18880  }
0xea: {  	[hbm4b:s3+s4] =	stream.indirect_vreg.scatter [tilespmem:s25], [sflag:$0x2], $0x80, v3, vm0, $0xb8;
	[tilespmem:$0x1A080] =	vst v63  }
0xeb: {  	s25 =	simm.s32 $0x19080  }
0xec: {  	[hbm4b:s10+s4] =	stream.indirect_vreg.scatter [tilespmem:s25], [sflag:$0x2], $0x80, v3, vm0, $0xb8;
	[tilespmem:$0x1A080] =	vst v63  }
0xed: {  	p0 =	sne.s32 s22, $0x540000;
	s25 =	simm.s32 $0x19880  }
0xee: {  	[hbm4b:s11+s4] =	stream.indirect_vreg.scatter [tilespmem:s25], [sflag:$0x2], $0x80, v3, vm0, $0xb8;
	[tilespmem:$0x1A080] =	vst v63  }
.Ltmp1:
0xef: {  	_ =	swait.ge [sflag:s2], $0x6000;
	(pc) =	sbr.rel @p0 .LBB2_4-.Ltmp1, $4  }
0xf0: {  	s25 =	rddreg [dreg:$0x6];
	[sflag:s2] =	ssyncset.done $0x0  }
0xf1: {  	s24 =	sadd.s32 $0x1000, s24;
	[sflag:s2] =	ssyncadd.s32 $0xFFFFA000;
	s25 =	sadd.s32 s22, s25  }
0xf2: {  	[tilespmem:s17], [sflag:$0x1] =	stream.linear.gather [hbm4b:s25+s4], $0x6000, $0x38;
	[tilespmem:$0x1A080] =	vst v63  }
0xf3: {  	s23 =	sadd.s32 $0x200, s23;
	s22 =	sadd.s32 $0x60000, s22;
	s25 =	simm.s32 $0x2880  }
0xf4: {  	_ =	swait.ge [sflag:s19], $0x6000  }
0xf5: {  	[sflag:s19] =	ssyncset.done $0x0  }
0xf6: {  	[sflag:s19] =	ssyncadd.s32 $0xFFFFA000  }
0xf7: {  	v3 =	vld [tilespmem:$0x1E80];
	_ =	sdelay $0x4  }
0xf8: {  	v4 =	vshrl.u32 v3, $0x3  }
0xf9: {  	v4 =	vmul.u32 $0x30, v4  }
0xfa: {  	v3 =	vand.u32 $0x7, v3  }
0xfb: {  	v3 =	vor.u32 v3, v4  }
0xfc: {  	v4 =	vperm.xlane v3, v0;
	_ =	sdelay $0x1  }
0xfd: {  	v4 =	vadd.s32 v1, v4;
	_ =	sdelay $0x3  }
0xfe: {  	v3 =	vperm.xlane v3, v2  }
0xff: {  	[hbm4b:s3+s4] =	stream.indirect_vreg.scatter [tilespmem:s14], [sflag:$0x2], $0x80, v4, vm0, $0xb8;
	[tilespmem:$0x1A080] =	vst v63  }
0x100: {  	v3 =	vadd.s32 v1, v3  }
0x101: {  	[hbm4b:s10+s4] =	stream.indirect_vreg.scatter [tilespmem:s25], [sflag:$0x2], $0x80, v4, vm0, $0xb8;
	[tilespmem:$0x1A080] =	vst v63  }
0x102: {  	_ = 	snop  }
0x103: {  	[hbm4b:s11+s4] =	stream.indirect_vreg.scatter [tilespmem:s28], [sflag:$0x2], $0x80, v4, vm0, $0xb8;
	[tilespmem:$0x1A080] =	vst v63  }
0x104: {  	_ = 	snop  }
0x105: {  	[hbm4b:s3+s4] =	stream.indirect_vreg.scatter [tilespmem:s29], [sflag:$0x2], $0x80, v3, vm0, $0xb8;
	[tilespmem:$0x1A080] =	vst v63  }
0x106: {  	_ = 	snop  }
0x107: {  	[hbm4b:s10+s4] =	stream.indirect_vreg.scatter [tilespmem:s30], [sflag:$0x2], $0x80, v3, vm0, $0xb8;
	[tilespmem:$0x1A080] =	vst v63  }
0x108: {  	_ = 	snop  }
0x109: {  	[hbm4b:s11+s4] =	stream.indirect_vreg.scatter [tilespmem:s31], [sflag:$0x2], $0x80, v3, vm0, $0xb8;
	[tilespmem:$0x1A080] =	vst v63  }
0x10a: {  	v3 =	vld [tilespmem:$0x1E90];
	_ =	sdelay $0x4  }
0x10b: {  	v57 =	vshrl.u32 v3, $0x3  }
0x10c: {  	v4 =	vmul.u32 $0x30, v57  }
0x10d: {  	v3 =	vand.u32 $0x7, v3  }
0x10e: {  	v3 =	vor.u32 v3, v4  }
0x10f: {  	v4 =	vperm.xlane v3, v0;
	_ =	sdelay $0x1  }
0x110: {  	v4 =	vadd.s32 v1, v4;
	_ =	sdelay $0x3  }
0x111: {  	v3 =	vperm.xlane v3, v2  }
0x112: {  	[hbm4b:s3+s4] =	stream.indirect_vreg.scatter [tilespmem:s0], [sflag:$0x2], $0x80, v4, vm0, $0xb8;
	[tilespmem:$0x1A080] =	vst v63  }
0x113: {  	v3 =	vadd.s32 v1, v3  }
0x114: {  	[hbm4b:s10+s4] =	stream.indirect_vreg.scatter [tilespmem:s6], [sflag:$0x2], $0x80, v4, vm0, $0xb8;
	[tilespmem:$0x1A080] =	vst v63  }
0x115: {  	_ = 	snop  }
0x116: {  	[hbm4b:s11+s4] =	stream.indirect_vreg.scatter [tilespmem:s7], [sflag:$0x2], $0x80, v4, vm0, $0xb8;
	[tilespmem:$0x1A080] =	vst v63  }
0x117: {  	_ = 	snop  }
0x118: {  	[hbm4b:s3+s4] =	stream.indirect_vreg.scatter [tilespmem:s8], [sflag:$0x2], $0x80, v3, vm0, $0xb8;
	[tilespmem:$0x1A080] =	vst v63  }
0x119: {  	_ = 	snop  }
0x11a: {  	[hbm4b:s10+s4] =	stream.indirect_vreg.scatter [tilespmem:s9], [sflag:$0x2], $0x80, v3, vm0, $0xb8;
	[tilespmem:$0x1A080] =	vst v63  }
0x11b: {  	_ = 	snop  }
0x11c: {  	[hbm4b:s11+s4] =	stream.indirect_vreg.scatter [tilespmem:s12], [sflag:$0x2], $0x80, v3, vm0, $0xb8;
	[tilespmem:$0x1A080] =	vst v63  }
0x11d: {  	_ =	swait.ge [sflag:s19], $0x6000  }
0x11e: {  	[sflag:s19] =	ssyncset.done $0x0  }
0x11f: {  	[sflag:s19] =	ssyncadd.s32 $0xFFFFA000  }
0x120: {  	v3 =	vld [tilespmem:$0x1F00];
	_ =	sdelay $0x4  }
0x121: {  	v58 =	vshrl.u32 v3, $0x3  }
0x122: {  	v4 =	vmul.u32 $0x30, v58  }
0x123: {  	v3 =	vand.u32 $0x7, v3  }
0x124: {  	v3 =	vor.u32 v3, v4  }
0x125: {  	v4 =	vperm.xlane v3, v0;
	_ =	sdelay $0x1  }
0x126: {  	v4 =	vadd.s32 v1, v4;
	_ =	sdelay $0x3  }
0x127: {  	v3 =	vperm.xlane v3, v2  }
0x128: {  	[hbm4b:s3+s4] =	stream.indirect_vreg.scatter [tilespmem:s15], [sflag:$0x2], $0x80, v4, vm0, $0xb8;
	[tilespmem:$0x1A080] =	vst v63  }
0x129: {  	v3 =	vadd.s32 v1, v3  }
0x12a: {  	[hbm4b:s10+s4] =	stream.indirect_vreg.scatter [tilespmem:s13], [sflag:$0x2], $0x80, v4, vm0, $0xb8;
	[tilespmem:$0x1A080] =	vst v63  }
0x12b: {  	_ = 	snop  }
0x12c: {  	[hbm4b:s11+s4] =	stream.indirect_vreg.scatter [tilespmem:s5], [sflag:$0x2], $0x80, v4, vm0, $0xb8;
	[tilespmem:$0x1A080] =	vst v63  }
0x12d: {  	_ = 	snop  }
0x12e: {  	[hbm4b:s3+s4] =	stream.indirect_vreg.scatter [tilespmem:s18], [sflag:$0x2], $0x80, v3, vm0, $0xb8;
	[tilespmem:$0x1A080] =	vst v63  }
0x12f: {  	_ = 	snop  }
0x130: {  	[hbm4b:s10+s4] =	stream.indirect_vreg.scatter [tilespmem:s1], [sflag:$0x2], $0x80, v3, vm0, $0xb8;
	[tilespmem:$0x1A080] =	vst v63  }
0x131: {  	_ = 	snop  }
0x132: {  	[hbm4b:s11+s4] =	stream.indirect_vreg.scatter [tilespmem:s20], [sflag:$0x2], $0x80, v3, vm0, $0xb8;
	[tilespmem:$0x1A080] =	vst v63  }
0x133: {  	v3 =	vld [tilespmem:$0x1F10];
	_ =	sdelay $0x4  }
0x134: {  	v59 =	vshrl.u32 v3, $0x3  }
0x135: {  	v4 =	vmul.u32 $0x30, v59  }
0x136: {  	v3 =	vand.u32 $0x7, v3  }
0x137: {  	v3 =	vor.u32 v3, v4  }
0x138: {  	v4 =	vperm.xlane v3, v0;
	_ =	sdelay $0x1  }
0x139: {  	v4 =	vadd.s32 v1, v4;
	_ =	sdelay $0x3  }
0x13a: {  	v3 =	vperm.xlane v3, v2  }
0x13b: {  	[hbm4b:s3+s4] =	stream.indirect_vreg.scatter [tilespmem:s21], [sflag:$0x2], $0x80, v4, vm0, $0xb8;
	[tilespmem:$0x1A080] =	vst v63  }
0x13c: {  	s22 =	simm.s32 $0xB880;
	v3 =	vadd.s32 v1, v3  }
0x13d: {  	[hbm4b:s10+s4] =	stream.indirect_vreg.scatter [tilespmem:s22], [sflag:$0x2], $0x80, v4, vm0, $0xb8;
	[tilespmem:$0x1A080] =	vst v63  }
0x13e: {  	s23 =	simm.s32 $0xC080  }
0x13f: {  	[hbm4b:s11+s4] =	stream.indirect_vreg.scatter [tilespmem:s23], [sflag:$0x2], $0x80, v4, vm0, $0xb8;
	[tilespmem:$0x1A080] =	vst v63  }
0x140: {  	s24 =	simm.s32 $0xC880  }
0x141: {  	[hbm4b:s3+s4] =	stream.indirect_vreg.scatter [tilespmem:s24], [sflag:$0x2], $0x80, v3, vm0, $0xb8;
	[tilespmem:$0x1A080] =	vst v63  }
0x142: {  	s26 =	simm.s32 $0xD080  }
0x143: {  	[hbm4b:s10+s4] =	stream.indirect_vreg.scatter [tilespmem:s26], [sflag:$0x2], $0x80, v3, vm0, $0xb8;
	[tilespmem:$0x1A080] =	vst v63  }
0x144: {  	s22 =	simm.s32 $0xD880  }
0x145: {  	[hbm4b:s11+s4] =	stream.indirect_vreg.scatter [tilespmem:s22], [sflag:$0x2], $0x80, v3, vm0, $0xb8;
	[tilespmem:$0x1A080] =	vst v63  }
0x146: {  	_ =	swait.ge [sflag:s19], $0x6000  }
0x147: {  	[sflag:s19] =	ssyncset.done $0x0  }
0x148: {  	[sflag:s19] =	ssyncadd.s32 $0xFFFFA000  }
0x149: {  	v3 =	vld [tilespmem:$0x1F80];
	_ =	sdelay $0x4  }
0x14a: {  	v60 =	vshrl.u32 v3, $0x3  }
0x14b: {  	v4 =	vmul.u32 $0x30, v60  }
0x14c: {  	v3 =	vand.u32 $0x7, v3  }
0x14d: {  	v3 =	vor.u32 v3, v4  }
0x14e: {  	v4 =	vperm.xlane v3, v0;
	_ =	sdelay $0x1  }
0x14f: {  	v4 =	vadd.s32 v1, v4;
	_ =	sdelay $0x3  }
0x150: {  	v3 =	vperm.xlane v3, v2  }
0x151: {  	[hbm4b:s3+s4] =	stream.indirect_vreg.scatter [tilespmem:s16], [sflag:$0x2], $0x80, v4, vm0, $0xb8;
	[tilespmem:$0x1A080] =	vst v63  }
0x152: {  	s23 =	simm.s32 $0xE880;
	v3 =	vadd.s32 v1, v3  }
0x153: {  	[hbm4b:s10+s4] =	stream.indirect_vreg.scatter [tilespmem:s23], [sflag:$0x2], $0x80, v4, vm0, $0xb8;
	[tilespmem:$0x1A080] =	vst v63  }
0x154: {  	s24 =	simm.s32 $0xF080  }
0x155: {  	[hbm4b:s11+s4] =	stream.indirect_vreg.scatter [tilespmem:s24], [sflag:$0x2], $0x80, v4, vm0, $0xb8;
	[tilespmem:$0x1A080] =	vst v63  }
0x156: {  	s26 =	simm.s32 $0xF880  }
0x157: {  	[hbm4b:s3+s4] =	stream.indirect_vreg.scatter [tilespmem:s26], [sflag:$0x2], $0x80, v3, vm0, $0xb8;
	[tilespmem:$0x1A080] =	vst v63  }
0x158: {  	s22 =	simm.s32 $0x10080  }
0x159: {  	[hbm4b:s10+s4] =	stream.indirect_vreg.scatter [tilespmem:s22], [sflag:$0x2], $0x80, v3, vm0, $0xb8;
	[tilespmem:$0x1A080] =	vst v63  }
0x15a: {  	s23 =	simm.s32 $0x10880  }
0x15b: {  	[hbm4b:s11+s4] =	stream.indirect_vreg.scatter [tilespmem:s23], [sflag:$0x2], $0x80, v3, vm0, $0xb8;
	[tilespmem:$0x1A080] =	vst v63  }
0x15c: {  	v3 =	vld [tilespmem:$0x1F90];
	_ =	sdelay $0x4  }
0x15d: {  	v61 =	vshrl.u32 v3, $0x3  }
0x15e: {  	v4 =	vmul.u32 $0x30, v61  }
0x15f: {  	v3 =	vand.u32 $0x7, v3  }
0x160: {  	v3 =	vor.u32 v3, v4  }
0x161: {  	v4 =	vperm.xlane v3, v0;
	_ =	sdelay $0x1  }
0x162: {  	v4 =	vadd.s32 v1, v4;
	_ =	sdelay $0x3  }
0x163: {  	s24 =	simm.s32 $0x11080;
	v3 =	vperm.xlane v3, v2  }
0x164: {  	[hbm4b:s3+s4] =	stream.indirect_vreg.scatter [tilespmem:s24], [sflag:$0x2], $0x80, v4, vm0, $0xb8;
	[tilespmem:$0x1A080] =	vst v63  }
0x165: {  	s26 =	simm.s32 $0x11880;
	v3 =	vadd.s32 v1, v3  }
0x166: {  	[hbm4b:s10+s4] =	stream.indirect_vreg.scatter [tilespmem:s26], [sflag:$0x2], $0x80, v4, vm0, $0xb8;
	[tilespmem:$0x1A080] =	vst v63  }
0x167: {  	s22 =	simm.s32 $0x12080  }
0x168: {  	[hbm4b:s11+s4] =	stream.indirect_vreg.scatter [tilespmem:s22], [sflag:$0x2], $0x80, v4, vm0, $0xb8;
	[tilespmem:$0x1A080] =	vst v63  }
0x169: {  	s23 =	simm.s32 $0x12880  }
0x16a: {  	[hbm4b:s3+s4] =	stream.indirect_vreg.scatter [tilespmem:s23], [sflag:$0x2], $0x80, v3, vm0, $0xb8;
	[tilespmem:$0x1A080] =	vst v63  }
0x16b: {  	s24 =	simm.s32 $0x13080  }
0x16c: {  	[hbm4b:s10+s4] =	stream.indirect_vreg.scatter [tilespmem:s24], [sflag:$0x2], $0x80, v3, vm0, $0xb8;
	[tilespmem:$0x1A080] =	vst v63  }
0x16d: {  	s26 =	simm.s32 $0x13880  }
0x16e: {  	[hbm4b:s11+s4] =	stream.indirect_vreg.scatter [tilespmem:s26], [sflag:$0x2], $0x80, v3, vm0, $0xb8;
	[tilespmem:$0x1A080] =	vst v63  }
0x16f: {  	_ =	swait.ge [sflag:s19], $0x6000  }
0x170: {  	[sflag:s19] =	ssyncset.done $0x0  }
0x171: {  	[sflag:s19] =	ssyncadd.s32 $0xFFFFA000  }
0x172: {  	v3 =	vld [tilespmem:$0x2000];
	_ =	sdelay $0x4  }
0x173: {  	v62 =	vshrl.u32 v3, $0x3  }
0x174: {  	v4 =	vmul.u32 $0x30, v62  }
0x175: {  	v3 =	vand.u32 $0x7, v3  }
0x176: {  	v3 =	vor.u32 v3, v4  }
0x177: {  	v4 =	vperm.xlane v3, v0;
	_ =	sdelay $0x1  }
0x178: {  	v4 =	vadd.s32 v1, v4;
	_ =	sdelay $0x3  }
0x179: {  	v3 =	vperm.xlane v3, v2  }
0x17a: {  	[hbm4b:s3+s4] =	stream.indirect_vreg.scatter [tilespmem:s17], [sflag:$0x2], $0x80, v4, vm0, $0xb8;
	[tilespmem:$0x1A080] =	vst v63  }
0x17b: {  	s22 =	simm.s32 $0x14880;
	v3 =	vadd.s32 v1, v3  }
0x17c: {  	[hbm4b:s10+s4] =	stream.indirect_vreg.scatter [tilespmem:s22], [sflag:$0x2], $0x80, v4, vm0, $0xb8;
	[tilespmem:$0x1A080] =	vst v63  }
0x17d: {  	s23 =	simm.s32 $0x15080  }
0x17e: {  	[hbm4b:s11+s4] =	stream.indirect_vreg.scatter [tilespmem:s23], [sflag:$0x2], $0x80, v4, vm0, $0xb8;
	[tilespmem:$0x1A080] =	vst v63  }
0x17f: {  	s24 =	simm.s32 $0x15880  }
0x180: {  	[hbm4b:s3+s4] =	stream.indirect_vreg.scatter [tilespmem:s24], [sflag:$0x2], $0x80, v3, vm0, $0xb8;
	[tilespmem:$0x1A080] =	vst v63  }
0x181: {  	s26 =	simm.s32 $0x16080  }
0x182: {  	[hbm4b:s10+s4] =	stream.indirect_vreg.scatter [tilespmem:s26], [sflag:$0x2], $0x80, v3, vm0, $0xb8;
	[tilespmem:$0x1A080] =	vst v63  }
0x183: {  	s22 =	simm.s32 $0x16880  }
0x184: {  	[hbm4b:s11+s4] =	stream.indirect_vreg.scatter [tilespmem:s22], [sflag:$0x2], $0x80, v3, vm0, $0xb8;
	[tilespmem:$0x1A080] =	vst v63  }
0x185: {  	v3 =	vld [tilespmem:$0x2010];
	_ =	sdelay $0x4  }
0x186: {  	v63 =	vshrl.u32 v3, $0x3  }
0x187: {  	v4 =	vmul.u32 $0x30, v63  }
0x188: {  	v3 =	vand.u32 $0x7, v3  }
0x189: {  	v3 =	vor.u32 v3, v4  }
0x18a: {  	v4 =	vperm.xlane v3, v0;
	_ =	sdelay $0x1  }
0x18b: {  	v4 =	vadd.s32 v1, v4;
	_ =	sdelay $0x3  }
0x18c: {  	s23 =	simm.s32 $0x17080;
	v3 =	vperm.xlane v3, v2  }
0x18d: {  	[hbm4b:s3+s4] =	stream.indirect_vreg.scatter [tilespmem:s23], [sflag:$0x2], $0x80, v4, vm0, $0xb8;
	[tilespmem:$0x1A080] =	vst v63  }
0x18e: {  	s24 =	simm.s32 $0x17880;
	v3 =	vadd.s32 v1, v3  }
0x18f: {  	[hbm4b:s10+s4] =	stream.indirect_vreg.scatter [tilespmem:s24], [sflag:$0x2], $0x80, v4, vm0, $0xb8;
	[tilespmem:$0x1A080] =	vst v63  }
0x190: {  	s26 =	simm.s32 $0x18080  }
0x191: {  	[hbm4b:s11+s4] =	stream.indirect_vreg.scatter [tilespmem:s26], [sflag:$0x2], $0x80, v4, vm0, $0xb8;
	[tilespmem:$0x1A080] =	vst v63  }
0x192: {  	s22 =	simm.s32 $0x18880  }
0x193: {  	[hbm4b:s3+s4] =	stream.indirect_vreg.scatter [tilespmem:s22], [sflag:$0x2], $0x80, v3, vm0, $0xb8;
	[tilespmem:$0x1A080] =	vst v63  }
0x194: {  	s23 =	simm.s32 $0x19080  }
0x195: {  	[hbm4b:s10+s4] =	stream.indirect_vreg.scatter [tilespmem:s23], [sflag:$0x2], $0x80, v3, vm0, $0xb8;
	[tilespmem:$0x1A080] =	vst v63  }
0x196: {  	s24 =	simm.s32 $0x19880  }
0x197: {  	[hbm4b:s11+s4] =	stream.indirect_vreg.scatter [tilespmem:s24], [sflag:$0x2], $0x80, v3, vm0, $0xb8;
	[tilespmem:$0x1A080] =	vst v63  }
0x198: {  	_ =	swait.ge [sflag:s2], $0x6000  }
0x199: {  	[sflag:s2] =	ssyncset.done $0x0  }
0x19a: {  	[sflag:s2] =	ssyncadd.s32 $0xFFFFA000  }
0x19b: {  	_ =	swait.ge [sflag:s2], $0x6000  }
0x19c: {  	[sflag:s2] =	ssyncset.done $0x0  }
0x19d: {  	[sflag:s2] =	ssyncadd.s32 $0xFFFFA000  }
0x19e: {  	_ =	swait.ge [sflag:s2], $0x6000  }
0x19f: {  	[sflag:s2] =	ssyncset.done $0x0  }
0x1a0: {  	[sflag:s2] =	ssyncadd.s32 $0xFFFFA000  }
0x1a1: {  	_ =	swait.ge [sflag:s2], $0x6000  }
0x1a2: {  	s26 =	rddreg [dreg:$0xe]  }
0x1a3: {  	s22 =	rddreg [dreg:$0xc];
	s0 =	sadd.s32 $0x1, s26  }
0x1a4: {  	p0 =	sne.s32 s0, s22  }
.Ltmp2:
0x1a5: {  	_ = 	snop;
	(pc) =	sbr.rel @p0 .LBB2_1-.Ltmp2, $3  }
0x1a6: {  	_ =	sdelay $0x1  }
0x1a7: {  	[sflag:s2] =	ssyncset.done $0x0  }
0x1a8: {  	[sflag:s2] =	ssyncadd.s32 $0xFFFFA000  }
0x1a9: {  	_ =	sfence.sel $0x180000  }
0x1aa: {  	[bflag:$0x0] =	sbarrier.arrive $0xFFFF  }
0x1ab: {  	_ =	strace $0x90000047  }
0x1ac: {  	s0 =	stileid.u32;
	[bflag:$0x2] =	sbarrier.arrive $0xFFFF  }
0x1ad: {  	p0 =	sne.s32 s0, $0x0;
	s0 =	rddreg [dreg:$0x3]  }
0x1ae: {  	s0 =	sadd.s32 @!p0 $0x100000, s0  }
0x1af: {  	[sflag:s0] =	ssyncadd.tile.s32 @!p0 $0x1;
	_ =	shalt  }
.Lfunc_end2:
_tile_overlayer_lowered:
.L_overlay_start_2:
0x1b0: {  	(tag) =	ssettag $0x2  }
0x1b1: {  	s0 =	rddreg [dreg:$0x0];
	s2 =	stileid.u32  }
0x1b2: {  	s1 =	rddreg [dreg:$0x1];
	p0 =	sne.s32 s2, $0x0  }
0x1b3: {  	s3 =	rddreg [dreg:$0x2];
	[bflag:$0x3] =	sbarrier.arrive $0xFFFF;
	s2 =	simm.s32 @!p0 $0x1C03  }
0x1b4: {  	[timem:s3], [sflag:s2] =	dma.local @!p0 [hbm:s0], s1  }
0x1b5: {  	s0 =	simm.s32 @!p0 $0x3  }
0x1b6: {  	_ =	swait.ge @!p0 [sflag:s0], s1  }
0x1b7: {  	s1 =	ssub.s32 @!p0 $0x0, s1;
	[sflag:s0] =	ssyncset.done @!p0 $0x0  }
0x1b8: {  	[sflag:s0] =	ssyncadd.s32 @!p0 s1  }
0x1b9: {  	[bflag:$0x3] =	sbarrier.arrive $0xFFFF  }
0x1ba: {  	_ =	shalt  }

</sc_bundles>
